<compile_context>
chip_gen: v7x
topology: tpu7x:2x2x1
jax: 0.10.2.dev20260603
libtpu: 0.0.44.dev20260713+nightly
codegen_flags: <defaults>
</compile_context>

<pallas_src>
import functools

import jax
import jax.numpy as jnp
from jax import lax
from jax.experimental import pallas as pl
from jax.experimental.pallas import tpu as pltpu
from jax.experimental.pallas import tpu_sc as plsc

_L = 16
_C = 4096
_R = 4 * 4096
_NW = 32
_RB = 8
_PH = 2
_PR = _RB // _PH
_ROWS_PER_W = _R // _NW
_N_CHUNKS = _ROWS_PER_W // _RB
_J = _C // _L


def _permute_body(y_hbm, perm_hbm, out_hbm, perm_v,
                  in0, in1, out0, out1, si0, si1, so0, so1):
    wid = lax.axis_index("s") * 2 + lax.axis_index("c")
    row0 = wid * _ROWS_PER_W
    pltpu.sync_copy(perm_hbm, perm_v)

    rvecs = [jnp.full((_L,), r, jnp.int32) for r in range(_RB)]

    ins = (in0, in1)
    outs = (out0, out1)
    sis = (si0, si1)
    sos = (so0, so1)

    def in_slice(c):
        return y_hbm.at[pl.ds(row0 + c * _RB, _RB)]

    def ph_slice(c, h):
        return out_hbm.at[pl.ds(row0 + c * _RB + h * _PR, _PR)]

    pltpu.async_copy(in_slice(0), in0, si0)
    pltpu.async_copy(in_slice(1), in1, si1)

    @pl.loop(0, _N_CHUNKS, step=2)
    def chunk_loop(c0):
        for b in range(2):
            c = c0 + b
            in_v, si = ins[b], sis[b]
            pltpu.make_async_copy(in_slice(c), in_v, si).wait()
            for h in range(_PH):
                out_v, so = outs[h], sos[h]
                @pl.when(c >= 1)
                def _():
                    pltpu.make_async_copy(out_v, ph_slice(c - 1, h), so).wait()

                @plsc.parallel_loop(0, _J, unroll=4)
                def gather(j):
                    pj = perm_v[pl.ds(j * _L, _L)]
                    for r in range(_PR):
                        out_v[r, pl.ds(j * _L, _L)] = plsc.load_gather(
                            in_v, [rvecs[h * _PR + r], pj])

                pltpu.async_copy(out_v, ph_slice(c, h), so)

            @pl.when(c + 2 < _N_CHUNKS)
            def _():
                pltpu.async_copy(in_slice(c + 2), in_v, si)

    pltpu.make_async_copy(out0, ph_slice(_N_CHUNKS - 1, 0), so0).wait()
    pltpu.make_async_copy(out1, ph_slice(_N_CHUNKS - 1, 1), so1).wait()


@jax.jit
def _permute(y2, perm_i32):
    mesh = plsc.VectorSubcoreMesh(core_axis_name="c", subcore_axis_name="s")
    f = functools.partial(
        pl.kernel,
        mesh=mesh,
        out_type=jax.ShapeDtypeStruct((_R, _C), jnp.float32),
        scratch_types=(
            [pltpu.VMEM((_C,), jnp.int32)]
            + [pltpu.VMEM((_RB, _C), jnp.float32)] * 2
            + [pltpu.VMEM((_PR, _C), jnp.float32)] * 2
            + [pltpu.SemaphoreType.DMA] * 4
        ),
        compiler_params=pltpu.CompilerParams(needs_layout_passes=False),
    )(_permute_body)
    return f(y2, perm_i32)


def kernel(y, perm):
    out = _permute(y.reshape(_R, _C), perm.astype(jnp.int32))
    return out.reshape(y.shape)

# --- scband reference (transcript-rebuilt; emitter-appended) ---
"""Pipeline reference for scband-random-permute1-d-24412594111181 (READ-ONLY COPY).

The authoritative reference and input builder live on the scoring server;
editing this copy changes nothing except your own understanding.
"""

import jax, jax.numpy as jnp
import numpy as np

N = 4096

def setup_inputs(seed: int = 0) -> dict:
    key = jax.random.key(seed)
    k_y, k_perm = jax.random.split(key)
    y = jax.random.normal(k_y, (4, 4096, N), dtype=jnp.float32)
    # Fixed random permutation buffer built at __init__ time (seed=0)
    perm = jax.random.permutation(k_perm, jnp.arange(N, dtype=jnp.int64))
    return {"y": y, "perm": perm}

def reference(y, perm):
    # forward: y.index_select(dim=-1, index=self.perm)
    return jnp.take(y, perm, axis=-1)

if __name__ == "__main__":
    import jax
    _d = setup_inputs()
    print(jax.jit(kernel)(*tuple(_d.values())))

</pallas_src>

<mosaic_0001>
#map = affine_map<(d0, d1) -> (0, 0)>
#map1 = affine_map<(d0, d1) -> (0)>
module attributes {stable_mosaic.version = 14 : i64} {
  func.func @_permute_body(%arg0: i32, %arg1: i32, %arg2: memref<16384x4096xf32, #tpu.memory_space<hbm>>, %arg3: memref<4096xi32, #tpu.memory_space<hbm>>, %arg4: memref<16384x4096xf32, #tpu.memory_space<hbm>>, %arg5: memref<4096xi32, #tpu.memory_space<vmem>>, %arg6: memref<8x4096xf32, #tpu.memory_space<vmem>>, %arg7: memref<8x4096xf32, #tpu.memory_space<vmem>>, %arg8: memref<4x4096xf32, #tpu.memory_space<vmem>>, %arg9: memref<4x4096xf32, #tpu.memory_space<vmem>>, %arg10: memref<!tpu.dma_semaphore, #tpu.memory_space<semaphore_mem>>, %arg11: memref<!tpu.dma_semaphore, #tpu.memory_space<semaphore_mem>>, %arg12: memref<!tpu.dma_semaphore, #tpu.memory_space<semaphore_mem>>, %arg13: memref<!tpu.dma_semaphore, #tpu.memory_space<semaphore_mem>>) attributes {dimension_semantics = [#tpu.dimension_semantics<core_parallel>, #tpu.dimension_semantics<subcore_parallel>], iteration_bounds = array<i64: 2, 16>, scalar_prefetch = 0 : i64, scratch_operands = 9 : i64, tpu.core_type = #tpu.core_type<sc_vector_subcore>, window_params = [{transform_indices = #map}, {transform_indices = #map1}, {transform_indices = #map}]} {
    %mul3A = arith.constant 2 : i32
    %mul3A_0 = arith.muli %arg1, %mul3A : i32
    %add3A = arith.addi %mul3A_0, %arg0 : i32
    %mul3A_1 = arith.constant 512 : i32
    %mul3A_2 = arith.muli %add3A, %mul3A_1 : i32
    "tpu.region"() ({
      %run_scoped3A = tpu.sem_alloc : memref<!tpu.dma_semaphore, #tpu.memory_space<semaphore_mem>>
      tpu.enqueue_dma source(%arg3 : memref<4096xi32, #tpu.memory_space<hbm>>) target(%arg5 : memref<4096xi32, #tpu.memory_space<vmem>>) target_semaphore(%run_scoped3A : memref<!tpu.dma_semaphore, #tpu.memory_space<semaphore_mem>>)
      tpu.wait_dma2 semaphore(%run_scoped3A : memref<!tpu.dma_semaphore, #tpu.memory_space<semaphore_mem>>) src(%arg3 : memref<4096xi32, #tpu.memory_space<hbm>>) dst(%arg5 : memref<4096xi32, #tpu.memory_space<vmem>>)
      tpu.yield
    }) : () -> ()
    %broadcast_in_dim3A = arith.constant 0 : i32
    %broadcast_in_dim3A_3 = vector.broadcast %broadcast_in_dim3A : i32 to vector<16xi32>
    %broadcast_in_dim3A_4 = arith.constant 1 : i32
    %broadcast_in_dim3A_5 = vector.broadcast %broadcast_in_dim3A_4 : i32 to vector<16xi32>
    %broadcast_in_dim3A_6 = arith.constant 2 : i32
    %broadcast_in_dim3A_7 = vector.broadcast %broadcast_in_dim3A_6 : i32 to vector<16xi32>
    %broadcast_in_dim3A_8 = arith.constant 3 : i32
    %broadcast_in_dim3A_9 = vector.broadcast %broadcast_in_dim3A_8 : i32 to vector<16xi32>
    %broadcast_in_dim3A_10 = arith.constant 4 : i32
    %broadcast_in_dim3A_11 = vector.broadcast %broadcast_in_dim3A_10 : i32 to vector<16xi32>
    %broadcast_in_dim3A_12 = arith.constant 5 : i32
    %broadcast_in_dim3A_13 = vector.broadcast %broadcast_in_dim3A_12 : i32 to vector<16xi32>
    %broadcast_in_dim3A_14 = arith.constant 6 : i32
    %broadcast_in_dim3A_15 = vector.broadcast %broadcast_in_dim3A_14 : i32 to vector<16xi32>
    %broadcast_in_dim3A_16 = arith.constant 7 : i32
    %broadcast_in_dim3A_17 = vector.broadcast %broadcast_in_dim3A_16 : i32 to vector<16xi32>
    %add3A_18 = arith.constant 0 : i32
    %add3A_19 = arith.addi %mul3A_2, %add3A_18 : i32
    %dma_start3A = arith.constant 0 : i32
    %dma_start3A_20 = tpu.memref_slice %arg2[%add3A_19, %dma_start3A] : memref<16384x4096xf32, #tpu.memory_space<hbm>> -> memref<8x4096xf32, #tpu.memory_space<hbm>>
    %dma_start3A_21 = arith.constant 0 : i32
    %dma_start3A_22 = tpu.memref_slice %arg2[%add3A_19, %dma_start3A_21] : memref<16384x4096xf32, #tpu.memory_space<hbm>> -> memref<8x4096xf32, #tpu.memory_space<hbm>>
    tpu.enqueue_dma source(%dma_start3A_22 : memref<8x4096xf32, #tpu.memory_space<hbm>>) target(%arg6 : memref<8x4096xf32, #tpu.memory_space<vmem>>) target_semaphore(%arg10 : memref<!tpu.dma_semaphore, #tpu.memory_space<semaphore_mem>>)
    %add3A_23 = arith.constant 8 : i32
    %add3A_24 = arith.addi %mul3A_2, %add3A_23 : i32
    %dma_start3A_25 = arith.constant 0 : i32
    %dma_start3A_26 = tpu.memref_slice %arg2[%add3A_24, %dma_start3A_25] : memref<16384x4096xf32, #tpu.memory_space<hbm>> -> memref<8x4096xf32, #tpu.memory_space<hbm>>
    %dma_start3A_27 = arith.constant 0 : i32
    %dma_start3A_28 = tpu.memref_slice %arg2[%add3A_24, %dma_start3A_27] : memref<16384x4096xf32, #tpu.memory_space<hbm>> -> memref<8x4096xf32, #tpu.memory_space<hbm>>
    tpu.enqueue_dma source(%dma_start3A_28 : memref<8x4096xf32, #tpu.memory_space<hbm>>) target(%arg7 : memref<8x4096xf32, #tpu.memory_space<vmem>>) target_semaphore(%arg11 : memref<!tpu.dma_semaphore, #tpu.memory_space<semaphore_mem>>)
    %scan3A = arith.constant 0 : i32
    %scan3A_29 = arith.constant 32 : i32
    %scan3A_30 = arith.addi %scan3A, %scan3A_29 : i32
    %scan3A_31 = arith.constant 1 : i32
    scf.for %scan3A_48 = %scan3A to %scan3A_30 step %scan3A_31  : i32 {
      %mul3A_49 = arith.constant 2 : i32
      %mul3A_50 = arith.muli %scan3A_48, %mul3A_49 : i32
      %add3A_51 = arith.constant 0 : i32
      %add3A_52 = arith.addi %add3A_51, %mul3A_50 : i32
      %add3A_53 = arith.constant 0 : i32
      %add3A_54 = arith.addi %add3A_52, %add3A_53 : i32
      %mul3A_55 = arith.constant 8 : i32
      %mul3A_56 = arith.muli %add3A_54, %mul3A_55 : i32
      %add3A_57 = arith.addi %mul3A_2, %mul3A_56 : i32
      %dma_wait3A_58 = arith.constant 0 : i32
      %dma_wait3A_59 = tpu.memref_slice %arg2[%add3A_57, %dma_wait3A_58] : memref<16384x4096xf32, #tpu.memory_space<hbm>> -> memref<8x4096xf32, #tpu.memory_space<hbm>>
      %dma_wait3A_60 = arith.constant 0 : i32
      %dma_wait3A_61 = tpu.memref_slice %arg2[%add3A_57, %dma_wait3A_60] : memref<16384x4096xf32, #tpu.memory_space<hbm>> -> memref<8x4096xf32, #tpu.memory_space<hbm>>
      tpu.wait_dma2 semaphore(%arg10 : memref<!tpu.dma_semaphore, #tpu.memory_space<semaphore_mem>>) src(%dma_wait3A_61 : memref<8x4096xf32, #tpu.memory_space<hbm>>) dst(%arg6 : memref<8x4096xf32, #tpu.memory_space<vmem>>)
      %ge3A = arith.constant 1 : i32
      %ge3A_62 = arith.cmpi sge, %add3A_54, %ge3A : i32
      %convert_element_type3A = arith.extui %ge3A_62 : i1 to i32
      %cond3A = arith.constant 0 : i32
      %cond3A_63 = arith.cmpi ne, %convert_element_type3A, %cond3A : i32
      scf.if %cond3A_63 {
        %sub3A = arith.constant 1 : i32
        %sub3A_148 = arith.subi %add3A_54, %sub3A : i32
        %mul3A_149 = arith.constant 8 : i32
        %mul3A_150 = arith.muli %sub3A_148, %mul3A_149 : i32
        %add3A_151 = arith.addi %mul3A_2, %mul3A_150 : i32
        %add3A_152 = arith.constant 0 : i32
        %add3A_153 = arith.addi %add3A_151, %add3A_152 : i32
        %dma_wait3A_154 = arith.constant 0 : i32
        %dma_wait3A_155 = tpu.memref_slice %arg4[%add3A_153, %dma_wait3A_154] : memref<16384x4096xf32, #tpu.memory_space<hbm>> -> memref<4x4096xf32, #tpu.memory_space<hbm>>
        %dma_wait3A_156 = arith.constant 0 : i32
        %dma_wait3A_157 = tpu.memref_slice %arg4[%add3A_153, %dma_wait3A_156] : memref<16384x4096xf32, #tpu.memory_space<hbm>> -> memref<4x4096xf32, #tpu.memory_space<hbm>>
        tpu.wait_dma2 semaphore(%arg12 : memref<!tpu.dma_semaphore, #tpu.memory_space<semaphore_mem>>) src(%arg8 : memref<4x4096xf32, #tpu.memory_space<vmem>>) dst(%dma_wait3A_157 : memref<4x4096xf32, #tpu.memory_space<hbm>>)
      } else {
      }
      %parallel_loop3A = arith.constant 0 : i32
      %parallel_loop3A_64 = arith.constant 256 : i32
      %parallel_loop3A_65 = arith.constant 1 : i32
      scf.for %parallel_loop3A_148 = %parallel_loop3A to %parallel_loop3A_64 step %parallel_loop3A_65  : i32 {
        %parallel_loop3A_149 = arith.constant 16 : i32
        %parallel_loop3A_150 = arith.muli %parallel_loop3A_148, %parallel_loop3A_149 : i32
        %parallel_loop3A_151 = arith.index_cast %parallel_loop3A_150 : i32 to index
        %parallel_loop3A_152 = tpu.vector_load %arg5[%parallel_loop3A_151] {strides = array<i32>} : memref<4096xi32, #tpu.memory_space<vmem>>, vector<16xi32>,
        %parallel_loop3A_153 = tpu.vector_load_idx %arg6[%broadcast_in_dim3A_3, %parallel_loop3A_152] : memref<8x4096xf32, #tpu.memory_space<vmem>>[vector<16xi32>, vector<16xi32>], vector<16xf32>,
        %parallel_loop3A_154 = arith.constant 16 : i32
        %parallel_loop3A_155 = arith.muli %parallel_loop3A_148, %parallel_loop3A_154 : i32
        %parallel_loop3A_156 = arith.constant 0 : i32
        %parallel_loop3A_157 = arith.index_cast %parallel_loop3A_156 : i32 to index
        %parallel_loop3A_158 = arith.index_cast %parallel_loop3A_155 : i32 to index
        %parallel_loop3A_159 = tpu.vector_load %arg8[%parallel_loop3A_157, %parallel_loop3A_158] {strides = array<i32>} : memref<4x4096xf32, #tpu.memory_space<vmem>>, vector<16xf32>,
        tpu.vector_store %arg8[%parallel_loop3A_157, %parallel_loop3A_158], %parallel_loop3A_153 {strides = array<i32>} : memref<4x4096xf32, #tpu.memory_space<vmem>>, vector<16xf32>,
        %parallel_loop3A_160 = tpu.vector_load_idx %arg6[%broadcast_in_dim3A_5, %parallel_loop3A_152] : memref<8x4096xf32, #tpu.memory_space<vmem>>[vector<16xi32>, vector<16xi32>], vector<16xf32>,
        %parallel_loop3A_161 = arith.constant 16 : i32
        %parallel_loop3A_162 = arith.muli %parallel_loop3A_148, %parallel_loop3A_161 : i32
        %parallel_loop3A_163 = arith.constant 1 : i32
        %parallel_loop3A_164 = arith.index_cast %parallel_loop3A_163 : i32 to index
        %parallel_loop3A_165 = arith.index_cast %parallel_loop3A_162 : i32 to index
        %parallel_loop3A_166 = tpu.vector_load %arg8[%parallel_loop3A_164, %parallel_loop3A_165] {strides = array<i32>} : memref<4x4096xf32, #tpu.memory_space<vmem>>, vector<16xf32>,
        tpu.vector_store %arg8[%parallel_loop3A_164, %parallel_loop3A_165], %parallel_loop3A_160 {strides = array<i32>} : memref<4x4096xf32, #tpu.memory_space<vmem>>, vector<16xf32>,
        %parallel_loop3A_167 = tpu.vector_load_idx %arg6[%broadcast_in_dim3A_7, %parallel_loop3A_152] : memref<8x4096xf32, #tpu.memory_space<vmem>>[vector<16xi32>, vector<16xi32>], vector<16xf32>,
        %parallel_loop3A_168 = arith.constant 16 : i32
        %parallel_loop3A_169 = arith.muli %parallel_loop3A_148, %parallel_loop3A_168 : i32
        %parallel_loop3A_170 = arith.constant 2 : i32
        %parallel_loop3A_171 = arith.index_cast %parallel_loop3A_170 : i32 to index
        %parallel_loop3A_172 = arith.index_cast %parallel_loop3A_169 : i32 to index
        %parallel_loop3A_173 = tpu.vector_load %arg8[%parallel_loop3A_171, %parallel_loop3A_172] {strides = array<i32>} : memref<4x4096xf32, #tpu.memory_space<vmem>>, vector<16xf32>,
        tpu.vector_store %arg8[%parallel_loop3A_171, %parallel_loop3A_172], %parallel_loop3A_167 {strides = array<i32>} : memref<4x4096xf32, #tpu.memory_space<vmem>>, vector<16xf32>,
        %parallel_loop3A_174 = tpu.vector_load_idx %arg6[%broadcast_in_dim3A_9, %parallel_loop3A_152] : memref<8x4096xf32, #tpu.memory_space<vmem>>[vector<16xi32>, vector<16xi32>], vector<16xf32>,
        %parallel_loop3A_175 = arith.constant 16 : i32
        %parallel_loop3A_176 = arith.muli %parallel_loop3A_148, %parallel_loop3A_175 : i32
        %parallel_loop3A_177 = arith.constant 3 : i32
        %parallel_loop3A_178 = arith.index_cast %parallel_loop3A_177 : i32 to index
        %parallel_loop3A_179 = arith.index_cast %parallel_loop3A_176 : i32 to index
        %parallel_loop3A_180 = tpu.vector_load %arg8[%parallel_loop3A_178, %parallel_loop3A_179] {strides = array<i32>} : memref<4x4096xf32, #tpu.memory_space<vmem>>, vector<16xf32>,
        tpu.vector_store %arg8[%parallel_loop3A_178, %parallel_loop3A_179], %parallel_loop3A_174 {strides = array<i32>} : memref<4x4096xf32, #tpu.memory_space<vmem>>, vector<16xf32>,
      } {sc.loop_unroll_factor = 4 : i64, sc.parallel_access}
      %mul3A_66 = arith.constant 8 : i32
      %mul3A_67 = arith.muli %add3A_54, %mul3A_66 : i32
      %add3A_68 = arith.addi %mul3A_2, %mul3A_67 : i32
      %add3A_69 = arith.constant 0 : i32
      %add3A_70 = arith.addi %add3A_68, %add3A_69 : i32
      %dma_start3A_71 = arith.constant 0 : i32
      %dma_start3A_72 = tpu.memref_slice %arg4[%add3A_70, %dma_start3A_71] : memref<16384x4096xf32, #tpu.memory_space<hbm>> -> memref<4x4096xf32, #tpu.memory_space<hbm>>
      %dma_start3A_73 = arith.constant 0 : i32
      %dma_start3A_74 = tpu.memref_slice %arg4[%add3A_70, %dma_start3A_73] : memref<16384x4096xf32, #tpu.memory_space<hbm>> -> memref<4x4096xf32, #tpu.memory_space<hbm>>
      tpu.enqueue_dma source(%arg8 : memref<4x4096xf32, #tpu.memory_space<vmem>>) target(%dma_start3A_74 : memref<4x4096xf32, #tpu.memory_space<hbm>>) target_semaphore(%arg12 : memref<!tpu.dma_semaphore, #tpu.memory_space<semaphore_mem>>)
      %ge3A_75 = arith.constant 1 : i32
      %ge3A_76 = arith.cmpi sge, %add3A_54, %ge3A_75 : i32
      %convert_element_type3A_77 = arith.extui %ge3A_76 : i1 to i32
      %cond3A_78 = arith.constant 0 : i32
      %cond3A_79 = arith.cmpi ne, %convert_element_type3A_77, %cond3A_78 : i32
      scf.if %cond3A_79 {
        %sub3A = arith.constant 1 : i32
        %sub3A_148 = arith.subi %add3A_54, %sub3A : i32
        %mul3A_149 = arith.constant 8 : i32
        %mul3A_150 = arith.muli %sub3A_148, %mul3A_149 : i32
        %add3A_151 = arith.addi %mul3A_2, %mul3A_150 : i32
        %add3A_152 = arith.constant 4 : i32
        %add3A_153 = arith.addi %add3A_151, %add3A_152 : i32
        %dma_wait3A_154 = arith.constant 0 : i32
        %dma_wait3A_155 = tpu.memref_slice %arg4[%add3A_153, %dma_wait3A_154] : memref<16384x4096xf32, #tpu.memory_space<hbm>> -> memref<4x4096xf32, #tpu.memory_space<hbm>>
        %dma_wait3A_156 = arith.constant 0 : i32
        %dma_wait3A_157 = tpu.memref_slice %arg4[%add3A_153, %dma_wait3A_156] : memref<16384x4096xf32, #tpu.memory_space<hbm>> -> memref<4x4096xf32, #tpu.memory_space<hbm>>
        tpu.wait_dma2 semaphore(%arg13 : memref<!tpu.dma_semaphore, #tpu.memory_space<semaphore_mem>>) src(%arg9 : memref<4x4096xf32, #tpu.memory_space<vmem>>) dst(%dma_wait3A_157 : memref<4x4096xf32, #tpu.memory_space<hbm>>)
      } else {
      }
      %parallel_loop3A_80 = arith.constant 0 : i32
      %parallel_loop3A_81 = arith.constant 256 : i32
      %parallel_loop3A_82 = arith.constant 1 : i32
      scf.for %parallel_loop3A_148 = %parallel_loop3A_80 to %parallel_loop3A_81 step %parallel_loop3A_82  : i32 {
        %parallel_loop3A_149 = arith.constant 16 : i32
        %parallel_loop3A_150 = arith.muli %parallel_loop3A_148, %parallel_loop3A_149 : i32
        %parallel_loop3A_151 = arith.index_cast %parallel_loop3A_150 : i32 to index
        %parallel_loop3A_152 = tpu.vector_load %arg5[%parallel_loop3A_151] {strides = array<i32>} : memref<4096xi32, #tpu.memory_space<vmem>>, vector<16xi32>,
        %parallel_loop3A_153 = tpu.vector_load_idx %arg6[%broadcast_in_dim3A_11, %parallel_loop3A_152] : memref<8x4096xf32, #tpu.memory_space<vmem>>[vector<16xi32>, vector<16xi32>], vector<16xf32>,
        %parallel_loop3A_154 = arith.constant 16 : i32
        %parallel_loop3A_155 = arith.muli %parallel_loop3A_148, %parallel_loop3A_154 : i32
        %parallel_loop3A_156 = arith.constant 0 : i32
        %parallel_loop3A_157 = arith.index_cast %parallel_loop3A_156 : i32 to index
        %parallel_loop3A_158 = arith.index_cast %parallel_loop3A_155 : i32 to index
        %parallel_loop3A_159 = tpu.vector_load %arg9[%parallel_loop3A_157, %parallel_loop3A_158] {strides = array<i32>} : memref<4x4096xf32, #tpu.memory_space<vmem>>, vector<16xf32>,
        tpu.vector_store %arg9[%parallel_loop3A_157, %parallel_loop3A_158], %parallel_loop3A_153 {strides = array<i32>} : memref<4x4096xf32, #tpu.memory_space<vmem>>, vector<16xf32>,
        %parallel_loop3A_160 = tpu.vector_load_idx %arg6[%broadcast_in_dim3A_13, %parallel_loop3A_152] : memref<8x4096xf32, #tpu.memory_space<vmem>>[vector<16xi32>, vector<16xi32>], vector<16xf32>,
        %parallel_loop3A_161 = arith.constant 16 : i32
        %parallel_loop3A_162 = arith.muli %parallel_loop3A_148, %parallel_loop3A_161 : i32
        %parallel_loop3A_163 = arith.constant 1 : i32
        %parallel_loop3A_164 = arith.index_cast %parallel_loop3A_163 : i32 to index
        %parallel_loop3A_165 = arith.index_cast %parallel_loop3A_162 : i32 to index
        %parallel_loop3A_166 = tpu.vector_load %arg9[%parallel_loop3A_164, %parallel_loop3A_165] {strides = array<i32>} : memref<4x4096xf32, #tpu.memory_space<vmem>>, vector<16xf32>,
        tpu.vector_store %arg9[%parallel_loop3A_164, %parallel_loop3A_165], %parallel_loop3A_160 {strides = array<i32>} : memref<4x4096xf32, #tpu.memory_space<vmem>>, vector<16xf32>,
        %parallel_loop3A_167 = tpu.vector_load_idx %arg6[%broadcast_in_dim3A_15, %parallel_loop3A_152] : memref<8x4096xf32, #tpu.memory_space<vmem>>[vector<16xi32>, vector<16xi32>], vector<16xf32>,
        %parallel_loop3A_168 = arith.constant 16 : i32
        %parallel_loop3A_169 = arith.muli %parallel_loop3A_148, %parallel_loop3A_168 : i32
        %parallel_loop3A_170 = arith.constant 2 : i32
        %parallel_loop3A_171 = arith.index_cast %parallel_loop3A_170 : i32 to index
        %parallel_loop3A_172 = arith.index_cast %parallel_loop3A_169 : i32 to index
        %parallel_loop3A_173 = tpu.vector_load %arg9[%parallel_loop3A_171, %parallel_loop3A_172] {strides = array<i32>} : memref<4x4096xf32, #tpu.memory_space<vmem>>, vector<16xf32>,
        tpu.vector_store %arg9[%parallel_loop3A_171, %parallel_loop3A_172], %parallel_loop3A_167 {strides = array<i32>} : memref<4x4096xf32, #tpu.memory_space<vmem>>, vector<16xf32>,
        %parallel_loop3A_174 = tpu.vector_load_idx %arg6[%broadcast_in_dim3A_17, %parallel_loop3A_152] : memref<8x4096xf32, #tpu.memory_space<vmem>>[vector<16xi32>, vector<16xi32>], vector<16xf32>,
        %parallel_loop3A_175 = arith.constant 16 : i32
        %parallel_loop3A_176 = arith.muli %parallel_loop3A_148, %parallel_loop3A_175 : i32
        %parallel_loop3A_177 = arith.constant 3 : i32
        %parallel_loop3A_178 = arith.index_cast %parallel_loop3A_177 : i32 to index
        %parallel_loop3A_179 = arith.index_cast %parallel_loop3A_176 : i32 to index
        %parallel_loop3A_180 = tpu.vector_load %arg9[%parallel_loop3A_178, %parallel_loop3A_179] {strides = array<i32>} : memref<4x4096xf32, #tpu.memory_space<vmem>>, vector<16xf32>,
        tpu.vector_store %arg9[%parallel_loop3A_178, %parallel_loop3A_179], %parallel_loop3A_174 {strides = array<i32>} : memref<4x4096xf32, #tpu.memory_space<vmem>>, vector<16xf32>,
      } {sc.loop_unroll_factor = 4 : i64, sc.parallel_access}
      %mul3A_83 = arith.constant 8 : i32
      %mul3A_84 = arith.muli %add3A_54, %mul3A_83 : i32
      %add3A_85 = arith.addi %mul3A_2, %mul3A_84 : i32
      %add3A_86 = arith.constant 4 : i32
      %add3A_87 = arith.addi %add3A_85, %add3A_86 : i32
      %dma_start3A_88 = arith.constant 0 : i32
      %dma_start3A_89 = tpu.memref_slice %arg4[%add3A_87, %dma_start3A_88] : memref<16384x4096xf32, #tpu.memory_space<hbm>> -> memref<4x4096xf32, #tpu.memory_space<hbm>>
      %dma_start3A_90 = arith.constant 0 : i32
      %dma_start3A_91 = tpu.memref_slice %arg4[%add3A_87, %dma_start3A_90] : memref<16384x4096xf32, #tpu.memory_space<hbm>> -> memref<4x4096xf32, #tpu.memory_space<hbm>>
      tpu.enqueue_dma source(%arg9 : memref<4x4096xf32, #tpu.memory_space<vmem>>) target(%dma_start3A_91 : memref<4x4096xf32, #tpu.memory_space<hbm>>) target_semaphore(%arg13 : memref<!tpu.dma_semaphore, #tpu.memory_space<semaphore_mem>>)
      %add3A_92 = arith.constant 2 : i32
      %add3A_93 = arith.addi %add3A_54, %add3A_92 : i32
      %lt3A = arith.constant 64 : i32
      %lt3A_94 = arith.cmpi slt, %add3A_93, %lt3A : i32
      %convert_element_type3A_95 = arith.extui %lt3A_94 : i1 to i32
      %cond3A_96 = arith.constant 0 : i32
      %cond3A_97 = arith.cmpi ne, %convert_element_type3A_95, %cond3A_96 : i32
      scf.if %cond3A_97 {
        %add3A_148 = arith.constant 2 : i32
        %add3A_149 = arith.addi %add3A_54, %add3A_148 : i32
        %mul3A_150 = arith.constant 8 : i32
        %mul3A_151 = arith.muli %add3A_149, %mul3A_150 : i32
        %add3A_152 = arith.addi %mul3A_2, %mul3A_151 : i32
        %dma_start3A_153 = arith.constant 0 : i32
        %dma_start3A_154 = tpu.memref_slice %arg2[%add3A_152, %dma_start3A_153] : memref<16384x4096xf32, #tpu.memory_space<hbm>> -> memref<8x4096xf32, #tpu.memory_space<hbm>>
        %dma_start3A_155 = arith.constant 0 : i32
        %dma_start3A_156 = tpu.memref_slice %arg2[%add3A_152, %dma_start3A_155] : memref<16384x4096xf32, #tpu.memory_space<hbm>> -> memref<8x4096xf32, #tpu.memory_space<hbm>>
        tpu.enqueue_dma source(%dma_start3A_156 : memref<8x4096xf32, #tpu.memory_space<hbm>>) target(%arg6 : memref<8x4096xf32, #tpu.memory_space<vmem>>) target_semaphore(%arg10 : memref<!tpu.dma_semaphore, #tpu.memory_space<semaphore_mem>>)
      } else {
      }
      %add3A_98 = arith.constant 1 : i32
      %add3A_99 = arith.addi %add3A_52, %add3A_98 : i32
      %mul3A_100 = arith.constant 8 : i32
      %mul3A_101 = arith.muli %add3A_99, %mul3A_100 : i32
      %add3A_102 = arith.addi %mul3A_2, %mul3A_101 : i32
      %dma_wait3A_103 = arith.constant 0 : i32
      %dma_wait3A_104 = tpu.memref_slice %arg2[%add3A_102, %dma_wait3A_103] : memref<16384x4096xf32, #tpu.memory_space<hbm>> -> memref<8x4096xf32, #tpu.memory_space<hbm>>
      %dma_wait3A_105 = arith.constant 0 : i32
      %dma_wait3A_106 = tpu.memref_slice %arg2[%add3A_102, %dma_wait3A_105] : memref<16384x4096xf32, #tpu.memory_space<hbm>> -> memref<8x4096xf32, #tpu.memory_space<hbm>>
      tpu.wait_dma2 semaphore(%arg11 : memref<!tpu.dma_semaphore, #tpu.memory_space<semaphore_mem>>) src(%dma_wait3A_106 : memref<8x4096xf32, #tpu.memory_space<hbm>>) dst(%arg7 : memref<8x4096xf32, #tpu.memory_space<vmem>>)
      %ge3A_107 = arith.constant 1 : i32
      %ge3A_108 = arith.cmpi sge, %add3A_99, %ge3A_107 : i32
      %convert_element_type3A_109 = arith.extui %ge3A_108 : i1 to i32
      %cond3A_110 = arith.constant 0 : i32
      %cond3A_111 = arith.cmpi ne, %convert_element_type3A_109, %cond3A_110 : i32
      scf.if %cond3A_111 {
        %sub3A = arith.constant 1 : i32
        %sub3A_148 = arith.subi %add3A_99, %sub3A : i32
        %mul3A_149 = arith.constant 8 : i32
        %mul3A_150 = arith.muli %sub3A_148, %mul3A_149 : i32
        %add3A_151 = arith.addi %mul3A_2, %mul3A_150 : i32
        %add3A_152 = arith.constant 0 : i32
        %add3A_153 = arith.addi %add3A_151, %add3A_152 : i32
        %dma_wait3A_154 = arith.constant 0 : i32
        %dma_wait3A_155 = tpu.memref_slice %arg4[%add3A_153, %dma_wait3A_154] : memref<16384x4096xf32, #tpu.memory_space<hbm>> -> memref<4x4096xf32, #tpu.memory_space<hbm>>
        %dma_wait3A_156 = arith.constant 0 : i32
        %dma_wait3A_157 = tpu.memref_slice %arg4[%add3A_153, %dma_wait3A_156] : memref<16384x4096xf32, #tpu.memory_space<hbm>> -> memref<4x4096xf32, #tpu.memory_space<hbm>>
        tpu.wait_dma2 semaphore(%arg12 : memref<!tpu.dma_semaphore, #tpu.memory_space<semaphore_mem>>) src(%arg8 : memref<4x4096xf32, #tpu.memory_space<vmem>>) dst(%dma_wait3A_157 : memref<4x4096xf32, #tpu.memory_space<hbm>>)
      } else {
      }
      %parallel_loop3A_112 = arith.constant 0 : i32
      %parallel_loop3A_113 = arith.constant 256 : i32
      %parallel_loop3A_114 = arith.constant 1 : i32
      scf.for %parallel_loop3A_148 = %parallel_loop3A_112 to %parallel_loop3A_113 step %parallel_loop3A_114  : i32 {
        %parallel_loop3A_149 = arith.constant 16 : i32
        %parallel_loop3A_150 = arith.muli %parallel_loop3A_148, %parallel_loop3A_149 : i32
        %parallel_loop3A_151 = arith.index_cast %parallel_loop3A_150 : i32 to index
        %parallel_loop3A_152 = tpu.vector_load %arg5[%parallel_loop3A_151] {strides = array<i32>} : memref<4096xi32, #tpu.memory_space<vmem>>, vector<16xi32>,
        %parallel_loop3A_153 = tpu.vector_load_idx %arg7[%broadcast_in_dim3A_3, %parallel_loop3A_152] : memref<8x4096xf32, #tpu.memory_space<vmem>>[vector<16xi32>, vector<16xi32>], vector<16xf32>,
        %parallel_loop3A_154 = arith.constant 16 : i32
        %parallel_loop3A_155 = arith.muli %parallel_loop3A_148, %parallel_loop3A_154 : i32
        %parallel_loop3A_156 = arith.constant 0 : i32
        %parallel_loop3A_157 = arith.index_cast %parallel_loop3A_156 : i32 to index
        %parallel_loop3A_158 = arith.index_cast %parallel_loop3A_155 : i32 to index
        %parallel_loop3A_159 = tpu.vector_load %arg8[%parallel_loop3A_157, %parallel_loop3A_158] {strides = array<i32>} : memref<4x4096xf32, #tpu.memory_space<vmem>>, vector<16xf32>,
        tpu.vector_store %arg8[%parallel_loop3A_157, %parallel_loop3A_158], %parallel_loop3A_153 {strides = array<i32>} : memref<4x4096xf32, #tpu.memory_space<vmem>>, vector<16xf32>,
        %parallel_loop3A_160 = tpu.vector_load_idx %arg7[%broadcast_in_dim3A_5, %parallel_loop3A_152] : memref<8x4096xf32, #tpu.memory_space<vmem>>[vector<16xi32>, vector<16xi32>], vector<16xf32>,
        %parallel_loop3A_161 = arith.constant 16 : i32
        %parallel_loop3A_162 = arith.muli %parallel_loop3A_148, %parallel_loop3A_161 : i32
        %parallel_loop3A_163 = arith.constant 1 : i32
        %parallel_loop3A_164 = arith.index_cast %parallel_loop3A_163 : i32 to index
        %parallel_loop3A_165 = arith.index_cast %parallel_loop3A_162 : i32 to index
        %parallel_loop3A_166 = tpu.vector_load %arg8[%parallel_loop3A_164, %parallel_loop3A_165] {strides = array<i32>} : memref<4x4096xf32, #tpu.memory_space<vmem>>, vector<16xf32>,
        tpu.vector_store %arg8[%parallel_loop3A_164, %parallel_loop3A_165], %parallel_loop3A_160 {strides = array<i32>} : memref<4x4096xf32, #tpu.memory_space<vmem>>, vector<16xf32>,
        %parallel_loop3A_167 = tpu.vector_load_idx %arg7[%broadcast_in_dim3A_7, %parallel_loop3A_152] : memref<8x4096xf32, #tpu.memory_space<vmem>>[vector<16xi32>, vector<16xi32>], vector<16xf32>,
        %parallel_loop3A_168 = arith.constant 16 : i32
        %parallel_loop3A_169 = arith.muli %parallel_loop3A_148, %parallel_loop3A_168 : i32
        %parallel_loop3A_170 = arith.constant 2 : i32
        %parallel_loop3A_171 = arith.index_cast %parallel_loop3A_170 : i32 to index
        %parallel_loop3A_172 = arith.index_cast %parallel_loop3A_169 : i32 to index
        %parallel_loop3A_173 = tpu.vector_load %arg8[%parallel_loop3A_171, %parallel_loop3A_172] {strides = array<i32>} : memref<4x4096xf32, #tpu.memory_space<vmem>>, vector<16xf32>,
        tpu.vector_store %arg8[%parallel_loop3A_171, %parallel_loop3A_172], %parallel_loop3A_167 {strides = array<i32>} : memref<4x4096xf32, #tpu.memory_space<vmem>>, vector<16xf32>,
        %parallel_loop3A_174 = tpu.vector_load_idx %arg7[%broadcast_in_dim3A_9, %parallel_loop3A_152] : memref<8x4096xf32, #tpu.memory_space<vmem>>[vector<16xi32>, vector<16xi32>], vector<16xf32>,
        %parallel_loop3A_175 = arith.constant 16 : i32
        %parallel_loop3A_176 = arith.muli %parallel_loop3A_148, %parallel_loop3A_175 : i32
        %parallel_loop3A_177 = arith.constant 3 : i32
        %parallel_loop3A_178 = arith.index_cast %parallel_loop3A_177 : i32 to index
        %parallel_loop3A_179 = arith.index_cast %parallel_loop3A_176 : i32 to index
        %parallel_loop3A_180 = tpu.vector_load %arg8[%parallel_loop3A_178, %parallel_loop3A_179] {strides = array<i32>} : memref<4x4096xf32, #tpu.memory_space<vmem>>, vector<16xf32>,
        tpu.vector_store %arg8[%parallel_loop3A_178, %parallel_loop3A_179], %parallel_loop3A_174 {strides = array<i32>} : memref<4x4096xf32, #tpu.memory_space<vmem>>, vector<16xf32>,
      } {sc.loop_unroll_factor = 4 : i64, sc.parallel_access}
      %mul3A_115 = arith.constant 8 : i32
      %mul3A_116 = arith.muli %add3A_99, %mul3A_115 : i32
      %add3A_117 = arith.addi %mul3A_2, %mul3A_116 : i32
      %add3A_118 = arith.constant 0 : i32
      %add3A_119 = arith.addi %add3A_117, %add3A_118 : i32
      %dma_start3A_120 = arith.constant 0 : i32
      %dma_start3A_121 = tpu.memref_slice %arg4[%add3A_119, %dma_start3A_120] : memref<16384x4096xf32, #tpu.memory_space<hbm>> -> memref<4x4096xf32, #tpu.memory_space<hbm>>
      %dma_start3A_122 = arith.constant 0 : i32
      %dma_start3A_123 = tpu.memref_slice %arg4[%add3A_119, %dma_start3A_122] : memref<16384x4096xf32, #tpu.memory_space<hbm>> -> memref<4x4096xf32, #tpu.memory_space<hbm>>
      tpu.enqueue_dma source(%arg8 : memref<4x4096xf32, #tpu.memory_space<vmem>>) target(%dma_start3A_123 : memref<4x4096xf32, #tpu.memory_space<hbm>>) target_semaphore(%arg12 : memref<!tpu.dma_semaphore, #tpu.memory_space<semaphore_mem>>)
      %ge3A_124 = arith.constant 1 : i32
      %ge3A_125 = arith.cmpi sge, %add3A_99, %ge3A_124 : i32
      %convert_element_type3A_126 = arith.extui %ge3A_125 : i1 to i32
      %cond3A_127 = arith.constant 0 : i32
      %cond3A_128 = arith.cmpi ne, %convert_element_type3A_126, %cond3A_127 : i32
      scf.if %cond3A_128 {
        %sub3A = arith.constant 1 : i32
        %sub3A_148 = arith.subi %add3A_99, %sub3A : i32
        %mul3A_149 = arith.constant 8 : i32
        %mul3A_150 = arith.muli %sub3A_148, %mul3A_149 : i32
        %add3A_151 = arith.addi %mul3A_2, %mul3A_150 : i32
        %add3A_152 = arith.constant 4 : i32
        %add3A_153 = arith.addi %add3A_151, %add3A_152 : i32
        %dma_wait3A_154 = arith.constant 0 : i32
        %dma_wait3A_155 = tpu.memref_slice %arg4[%add3A_153, %dma_wait3A_154] : memref<16384x4096xf32, #tpu.memory_space<hbm>> -> memref<4x4096xf32, #tpu.memory_space<hbm>>
        %dma_wait3A_156 = arith.constant 0 : i32
        %dma_wait3A_157 = tpu.memref_slice %arg4[%add3A_153, %dma_wait3A_156] : memref<16384x4096xf32, #tpu.memory_space<hbm>> -> memref<4x4096xf32, #tpu.memory_space<hbm>>
        tpu.wait_dma2 semaphore(%arg13 : memref<!tpu.dma_semaphore, #tpu.memory_space<semaphore_mem>>) src(%arg9 : memref<4x4096xf32, #tpu.memory_space<vmem>>) dst(%dma_wait3A_157 : memref<4x4096xf32, #tpu.memory_space<hbm>>)
      } else {
      }
      %parallel_loop3A_129 = arith.constant 0 : i32
      %parallel_loop3A_130 = arith.constant 256 : i32
      %parallel_loop3A_131 = arith.constant 1 : i32
      scf.for %parallel_loop3A_148 = %parallel_loop3A_129 to %parallel_loop3A_130 step %parallel_loop3A_131  : i32 {
        %parallel_loop3A_149 = arith.constant 16 : i32
        %parallel_loop3A_150 = arith.muli %parallel_loop3A_148, %parallel_loop3A_149 : i32
        %parallel_loop3A_151 = arith.index_cast %parallel_loop3A_150 : i32 to index
        %parallel_loop3A_152 = tpu.vector_load %arg5[%parallel_loop3A_151] {strides = array<i32>} : memref<4096xi32, #tpu.memory_space<vmem>>, vector<16xi32>,
        %parallel_loop3A_153 = tpu.vector_load_idx %arg7[%broadcast_in_dim3A_11, %parallel_loop3A_152] : memref<8x4096xf32, #tpu.memory_space<vmem>>[vector<16xi32>, vector<16xi32>], vector<16xf32>,
        %parallel_loop3A_154 = arith.constant 16 : i32
        %parallel_loop3A_155 = arith.muli %parallel_loop3A_148, %parallel_loop3A_154 : i32
        %parallel_loop3A_156 = arith.constant 0 : i32
        %parallel_loop3A_157 = arith.index_cast %parallel_loop3A_156 : i32 to index
        %parallel_loop3A_158 = arith.index_cast %parallel_loop3A_155 : i32 to index
        %parallel_loop3A_159 = tpu.vector_load %arg9[%parallel_loop3A_157, %parallel_loop3A_158] {strides = array<i32>} : memref<4x4096xf32, #tpu.memory_space<vmem>>, vector<16xf32>,
        tpu.vector_store %arg9[%parallel_loop3A_157, %parallel_loop3A_158], %parallel_loop3A_153 {strides = array<i32>} : memref<4x4096xf32, #tpu.memory_space<vmem>>, vector<16xf32>,
        %parallel_loop3A_160 = tpu.vector_load_idx %arg7[%broadcast_in_dim3A_13, %parallel_loop3A_152] : memref<8x4096xf32, #tpu.memory_space<vmem>>[vector<16xi32>, vector<16xi32>], vector<16xf32>,
        %parallel_loop3A_161 = arith.constant 16 : i32
        %parallel_loop3A_162 = arith.muli %parallel_loop3A_148, %parallel_loop3A_161 : i32
        %parallel_loop3A_163 = arith.constant 1 : i32
        %parallel_loop3A_164 = arith.index_cast %parallel_loop3A_163 : i32 to index
        %parallel_loop3A_165 = arith.index_cast %parallel_loop3A_162 : i32 to index
        %parallel_loop3A_166 = tpu.vector_load %arg9[%parallel_loop3A_164, %parallel_loop3A_165] {strides = array<i32>} : memref<4x4096xf32, #tpu.memory_space<vmem>>, vector<16xf32>,
        tpu.vector_store %arg9[%parallel_loop3A_164, %parallel_loop3A_165], %parallel_loop3A_160 {strides = array<i32>} : memref<4x4096xf32, #tpu.memory_space<vmem>>, vector<16xf32>,
        %parallel_loop3A_167 = tpu.vector_load_idx %arg7[%broadcast_in_dim3A_15, %parallel_loop3A_152] : memref<8x4096xf32, #tpu.memory_space<vmem>>[vector<16xi32>, vector<16xi32>], vector<16xf32>,
        %parallel_loop3A_168 = arith.constant 16 : i32
        %parallel_loop3A_169 = arith.muli %parallel_loop3A_148, %parallel_loop3A_168 : i32
        %parallel_loop3A_170 = arith.constant 2 : i32
        %parallel_loop3A_171 = arith.index_cast %parallel_loop3A_170 : i32 to index
        %parallel_loop3A_172 = arith.index_cast %parallel_loop3A_169 : i32 to index
        %parallel_loop3A_173 = tpu.vector_load %arg9[%parallel_loop3A_171, %parallel_loop3A_172] {strides = array<i32>} : memref<4x4096xf32, #tpu.memory_space<vmem>>, vector<16xf32>,
        tpu.vector_store %arg9[%parallel_loop3A_171, %parallel_loop3A_172], %parallel_loop3A_167 {strides = array<i32>} : memref<4x4096xf32, #tpu.memory_space<vmem>>, vector<16xf32>,
        %parallel_loop3A_174 = tpu.vector_load_idx %arg7[%broadcast_in_dim3A_17, %parallel_loop3A_152] : memref<8x4096xf32, #tpu.memory_space<vmem>>[vector<16xi32>, vector<16xi32>], vector<16xf32>,
        %parallel_loop3A_175 = arith.constant 16 : i32
        %parallel_loop3A_176 = arith.muli %parallel_loop3A_148, %parallel_loop3A_175 : i32
        %parallel_loop3A_177 = arith.constant 3 : i32
        %parallel_loop3A_178 = arith.index_cast %parallel_loop3A_177 : i32 to index
        %parallel_loop3A_179 = arith.index_cast %parallel_loop3A_176 : i32 to index
        %parallel_loop3A_180 = tpu.vector_load %arg9[%parallel_loop3A_178, %parallel_loop3A_179] {strides = array<i32>} : memref<4x4096xf32, #tpu.memory_space<vmem>>, vector<16xf32>,
        tpu.vector_store %arg9[%parallel_loop3A_178, %parallel_loop3A_179], %parallel_loop3A_174 {strides = array<i32>} : memref<4x4096xf32, #tpu.memory_space<vmem>>, vector<16xf32>,
      } {sc.loop_unroll_factor = 4 : i64, sc.parallel_access}
      %mul3A_132 = arith.constant 8 : i32
      %mul3A_133 = arith.muli %add3A_99, %mul3A_132 : i32
      %add3A_134 = arith.addi %mul3A_2, %mul3A_133 : i32
      %add3A_135 = arith.constant 4 : i32
      %add3A_136 = arith.addi %add3A_134, %add3A_135 : i32
      %dma_start3A_137 = arith.constant 0 : i32
      %dma_start3A_138 = tpu.memref_slice %arg4[%add3A_136, %dma_start3A_137] : memref<16384x4096xf32, #tpu.memory_space<hbm>> -> memref<4x4096xf32, #tpu.memory_space<hbm>>
      %dma_start3A_139 = arith.constant 0 : i32
      %dma_start3A_140 = tpu.memref_slice %arg4[%add3A_136, %dma_start3A_139] : memref<16384x4096xf32, #tpu.memory_space<hbm>> -> memref<4x4096xf32, #tpu.memory_space<hbm>>
      tpu.enqueue_dma source(%arg9 : memref<4x4096xf32, #tpu.memory_space<vmem>>) target(%dma_start3A_140 : memref<4x4096xf32, #tpu.memory_space<hbm>>) target_semaphore(%arg13 : memref<!tpu.dma_semaphore, #tpu.memory_space<semaphore_mem>>)
      %add3A_141 = arith.constant 2 : i32
      %add3A_142 = arith.addi %add3A_99, %add3A_141 : i32
      %lt3A_143 = arith.constant 64 : i32
      %lt3A_144 = arith.cmpi slt, %add3A_142, %lt3A_143 : i32
      %convert_element_type3A_145 = arith.extui %lt3A_144 : i1 to i32
      %cond3A_146 = arith.constant 0 : i32
      %cond3A_147 = arith.cmpi ne, %convert_element_type3A_145, %cond3A_146 : i32
      scf.if %cond3A_147 {
        %add3A_148 = arith.constant 2 : i32
        %add3A_149 = arith.addi %add3A_99, %add3A_148 : i32
        %mul3A_150 = arith.constant 8 : i32
        %mul3A_151 = arith.muli %add3A_149, %mul3A_150 : i32
        %add3A_152 = arith.addi %mul3A_2, %mul3A_151 : i32
        %dma_start3A_153 = arith.constant 0 : i32
        %dma_start3A_154 = tpu.memref_slice %arg2[%add3A_152, %dma_start3A_153] : memref<16384x4096xf32, #tpu.memory_space<hbm>> -> memref<8x4096xf32, #tpu.memory_space<hbm>>
        %dma_start3A_155 = arith.constant 0 : i32
        %dma_start3A_156 = tpu.memref_slice %arg2[%add3A_152, %dma_start3A_155] : memref<16384x4096xf32, #tpu.memory_space<hbm>> -> memref<8x4096xf32, #tpu.memory_space<hbm>>
        tpu.enqueue_dma source(%dma_start3A_156 : memref<8x4096xf32, #tpu.memory_space<hbm>>) target(%arg7 : memref<8x4096xf32, #tpu.memory_space<vmem>>) target_semaphore(%arg11 : memref<!tpu.dma_semaphore, #tpu.memory_space<semaphore_mem>>)
      } else {
      }
    }
    %scan3A_32 = arith.constant 32 : i32
    %add3A_33 = arith.constant 504 : i32
    %add3A_34 = arith.addi %mul3A_2, %add3A_33 : i32
    %add3A_35 = arith.constant 0 : i32
    %add3A_36 = arith.addi %add3A_34, %add3A_35 : i32
    %dma_wait3A = arith.constant 0 : i32
    %dma_wait3A_37 = tpu.memref_slice %arg4[%add3A_36, %dma_wait3A] : memref<16384x4096xf32, #tpu.memory_space<hbm>> -> memref<4x4096xf32, #tpu.memory_space<hbm>>
    %dma_wait3A_38 = arith.constant 0 : i32
    %dma_wait3A_39 = tpu.memref_slice %arg4[%add3A_36, %dma_wait3A_38] : memref<16384x4096xf32, #tpu.memory_space<hbm>> -> memref<4x4096xf32, #tpu.memory_space<hbm>>
    tpu.wait_dma2 semaphore(%arg12 : memref<!tpu.dma_semaphore, #tpu.memory_space<semaphore_mem>>) src(%arg8 : memref<4x4096xf32, #tpu.memory_space<vmem>>) dst(%dma_wait3A_39 : memref<4x4096xf32, #tpu.memory_space<hbm>>)
    %add3A_40 = arith.constant 504 : i32
    %add3A_41 = arith.addi %mul3A_2, %add3A_40 : i32
    %add3A_42 = arith.constant 4 : i32
    %add3A_43 = arith.addi %add3A_41, %add3A_42 : i32
    %dma_wait3A_44 = arith.constant 0 : i32
    %dma_wait3A_45 = tpu.memref_slice %arg4[%add3A_43, %dma_wait3A_44] : memref<16384x4096xf32, #tpu.memory_space<hbm>> -> memref<4x4096xf32, #tpu.memory_space<hbm>>
    %dma_wait3A_46 = arith.constant 0 : i32
    %dma_wait3A_47 = tpu.memref_slice %arg4[%add3A_43, %dma_wait3A_46] : memref<16384x4096xf32, #tpu.memory_space<hbm>> -> memref<4x4096xf32, #tpu.memory_space<hbm>>
    tpu.wait_dma2 semaphore(%arg13 : memref<!tpu.dma_semaphore, #tpu.memory_space<semaphore_mem>>) src(%arg9 : memref<4x4096xf32, #tpu.memory_space<vmem>>) dst(%dma_wait3A_47 : memref<4x4096xf32, #tpu.memory_space<hbm>>)
    return
  }
}

</mosaic_0001>

<sc_bundles>
// kernel: _permute.3.cloned.1.call-start
scs
__scs_entry_jumppad:
0x0: {  	(pc) =	sbr.rel $0x88, $3  }
0x1: {  	(tag) =	ssettag $0x0;
	lr =	simm.s32 $0x1  }
0x2: {  	[smem:$0x3F9F] =	sst lr;
	_ =	strace $0xD0000000  }
0x3: {  	_ = 	snop  }
0x4: {  	_ = 	snop  }
0x5: {  	_ = 	snop  }
0x6: {  	_ = 	snop  }
0x7: {  	_ = 	snop  }
__scs_overlays_trampoline_lowered:
0x8: {  	[smem:$0x3FAE] =	sst s0  }
0x9: {  	[smem:$0x3FAF] =	sst s1  }
0xa: {  	[smem:$0x3FB0] =	sst s2  }
0xb: {  	[smem:$0x3FB1] =	sst s3  }
0xc: {  	[smem:$0x3FB2] =	sst s4  }
0xd: {  	[smem:$0x3FB3] =	sst s5  }
0xe: {  	[smem:$0x3FB4] =	sst s6  }
0xf: {  	[smem:$0x3FB5] =	sst s7  }
0x10: {  	[smem:$0x3FB6] =	sst s8  }
0x11: {  	[smem:$0x3FB7] =	sst s9;
	s0 =	simm.s32 @!p0 $0x0  }
0x12: {  	s1 =	sld [smem:$0x3F9D];
	s0 =	simm.s32 @p0 $0x1  }
0x13: {  	[smem:$0x3FB8] =	sst s0;
	s0 =	simm.s32 @!p1 $0x0  }
0x14: {  	s2 =	sld [smem:$0x3F9C];
	s0 =	simm.s32 @p1 $0x1  }
0x15: {  	[smem:$0x3FB9] =	sst s0;
	s0 =	simm.s32 @!p2 $0x0  }
0x16: {  	s3 =	sld [smem:$0x3FDB];
	s0 =	simm.s32 @p2 $0x1  }
0x17: {  	s4 =	simm.s32 $0x1BF5;
	[smem:$0x3FBB] =	sst s0  }
0x18: {  	s0 =	sld [smem:$0x3F9E];
	_ =	swait.ge [sflag:s4], $0x0  }
0x19: {  	s7 =	sld [smem:$0x3F9F]  }
0x1a: {  	s8 =	sadd.s32 $0xFFFFE003, lr  }
0x1b: {  	s9 =	sadd.s32 $0xFFFFFEF7, lr;
	s5 =	simm.s32 $0xFFFFFFFF;
	p2 =	slt.u32 s8, $0xFFFFF086  }
0x1c: {  	p1 =	slt.u32 s9, $0xF7A;
	s5 =	simm.s32 @!p2 $0x0  }
0x1d: {  	s5 =	simm.s32 @p1 $0x1;
	p0 =	seq.s32 s7, s2  }
0x1e: {  	s7 =	smul.u32 @!p0 $0xF7A, s2;
	p2 =	seq.s32 @!p0 s5, $0x0  }
0x1f: {  	s9 =	smul.u32 $0xF7A, s1;
	s8 =	simm.s32 @!p0 $0x1BF5;
	p2 =	por !p2, p0  }
0x20: {  	[sflag:s8] =	ssyncset.s32 @!p0 $0xFFFFF086;
	s6 =	sadd.s32 @!p0 s3, s7;
	s7 =	simm.s32 @!p0 $0x108  }
0x21: {  	s3 =	sadd.s32 s3, s9;
	s6 =	sadd.s32 @!p0 $0x88, s6;
	s7 =	simm.s32 @p2 $0x1082  }
0x22: {  	[simem:s7], [sflag:s8] =	dma.local @!p0 [hbm:s6], $0xF7A  }
0x23: {  	s9 =	sor.u32 $0xD0000000, s2;
	s6 =	simm.s32 $0x108;
	_ =	swait.ge @!p0 [sflag:s8], $0x0  }
0x24: {  	s3 =	sadd.s32 $0x88, s3;
	s6 =	simm.s32 @!p1 $0x1082;
	[sflag:s4] =	ssyncset.s32 $0xFFFFF086  }
0x25: {  	[simem:s6], [sflag:s4] =	dma.local [hbm:s3], $0xF7A  }
0x26: {  	[smem:$0x3F9F] =	sst s1;
	(tag) =	ssettag s2;
	_ =	strace s9  }
0x27: {  	s1 =	sld [smem:$0x3FAF]  }
0x28: {  	s2 =	sld [smem:$0x3FB0]  }
0x29: {  	s4 =	sld [smem:$0x3FB2]  }
0x2a: {  	p0 =	seq.s32 s5, $0x0;
	s5 =	sld [smem:$0x3FB3]  }
0x2b: {  	s6 =	sld [smem:$0x3FB4]  }
0x2c: {  	s7 =	sld [smem:$0x3FB5]  }
0x2d: {  	s3 =	simm.s32 $0x108;
	s8 =	sld [smem:$0x3FB6]  }
0x2e: {  	s3 =	simm.s32 @!p0 $0x1082;
	s9 =	sld [smem:$0x3FB7]  }
0x2f: {  	lr =	sadd.s32 s0, s3;
	s0 =	sld [smem:$0x3FAE]  }
0x30: {  	s3 =	sld [smem:$0x3FB1]  }
0x31: {  	[smem:$0x3FBA] =	sst s10  }
0x32: {  	s10 =	sld [smem:$0x3FB8];
	_ =	sdelay $0x3  }
0x33: {  	p0 =	seq.s32 s10, $0x1;
	s10 =	sld [smem:$0x3FBA];
	_ =	sdelay $0x3  }
0x34: {  	[smem:$0x3FBA] =	sst s10  }
0x35: {  	s10 =	sld [smem:$0x3FB9];
	_ =	sdelay $0x3  }
0x36: {  	p1 =	seq.s32 s10, $0x1;
	s10 =	sld [smem:$0x3FBA];
	_ =	sdelay $0x3  }
0x37: {  	[smem:$0x3FBA] =	sst s10  }
0x38: {  	s10 =	sld [smem:$0x3FBB]  }
0x39: {  	_ = 	snop;
	(pc) =	sbr.ind lr, $3  }
0x3a: {  	_ = 	snop  }
0x3b: {  	_ = 	snop  }
0x3c: {  	p2 =	seq.s32 s10, $0x1;
	s10 =	sld [smem:$0x3FBA]  }
0x3d: {  	_ =	shalt  }
0x3e: {  	_ =	shalt  }
0x3f: {  	_ =	shalt  }
0x40: {  	_ =	shalt  }
0x41: {  	_ =	shalt  }
0x42: {  	_ =	shalt  }
0x43: {  	_ =	shalt  }
0x44: {  	_ =	shalt  }
0x45: {  	_ =	shalt  }
0x46: {  	_ =	shalt  }
0x47: {  	_ =	shalt  }
0x48: {  	_ =	shalt  }
0x49: {  	_ =	shalt  }
0x4a: {  	_ =	shalt  }
0x4b: {  	_ =	shalt  }
0x4c: {  	_ =	shalt  }
0x4d: {  	_ =	shalt  }
0x4e: {  	_ =	shalt  }
0x4f: {  	_ =	shalt  }
0x50: {  	_ =	shalt  }
0x51: {  	_ =	shalt  }
0x52: {  	_ =	shalt  }
0x53: {  	_ =	shalt  }
0x54: {  	_ =	shalt  }
0x55: {  	_ =	shalt  }
0x56: {  	_ =	shalt  }
0x57: {  	_ =	shalt  }
0x58: {  	_ =	shalt  }
0x59: {  	_ =	shalt  }
0x5a: {  	_ =	shalt  }
0x5b: {  	_ =	shalt  }
0x5c: {  	_ =	shalt  }
0x5d: {  	_ =	shalt  }
0x5e: {  	_ =	shalt  }
0x5f: {  	_ =	shalt  }
0x60: {  	_ =	shalt  }
0x61: {  	_ =	shalt  }
0x62: {  	_ =	shalt  }
0x63: {  	_ =	shalt  }
0x64: {  	_ =	shalt  }
0x65: {  	_ =	shalt  }
0x66: {  	_ =	shalt  }
0x67: {  	_ =	shalt  }
0x68: {  	_ =	shalt  }
0x69: {  	_ =	shalt  }
0x6a: {  	_ =	shalt  }
0x6b: {  	_ =	shalt  }
0x6c: {  	_ =	shalt  }
0x6d: {  	_ =	shalt  }
0x6e: {  	_ =	shalt  }
0x6f: {  	_ =	shalt  }
0x70: {  	_ =	shalt  }
0x71: {  	_ =	shalt  }
0x72: {  	_ =	shalt  }
0x73: {  	_ =	shalt  }
0x74: {  	_ =	shalt  }
0x75: {  	_ =	shalt  }
0x76: {  	_ =	shalt  }
0x77: {  	_ =	shalt  }
0x78: {  	_ =	shalt  }
0x79: {  	_ =	shalt  }
0x7a: {  	_ =	shalt  }
0x7b: {  	_ =	shalt  }
0x7c: {  	_ =	shalt  }
0x7d: {  	_ =	shalt  }
0x7e: {  	_ =	shalt  }
0x7f: {  	_ =	shalt  }
0x80: {  	_ =	shalt  }
0x81: {  	_ =	shalt  }
0x82: {  	_ =	shalt  }
0x83: {  	_ =	shalt  }
0x84: {  	_ =	shalt  }
0x85: {  	_ =	shalt  }
0x86: {  	_ =	shalt  }
0x87: {  	_ =	shalt  }
.Lfunc_end0:
.L_simem_size_0:
called_computation_lowered:
.L_overlay_start_0:
0x88: {  	s2 =	sld [smem:$0x3FD9]  }
0x89: {  	s3 =	sld [smem:$0x3FFE];
	_ =	sdelay $0x1  }
0x8a: {  	s1 =	srdreg.scid  }
0x8b: {  	s0 =	sand.u32 $0x1, s1  }
0x8c: {  	s18 =	sshll.u32 s0, $0xA;
	s2 =	sadd.s32 s3, s2  }
0x8d: {  	s2 =	sadd.s32 s2, s18  }
0x8e: {  	[smem:$0x3FC6] =	sst s2  }
0x8f: {  	_ = 	snop  }
0x90: {  	s2 =	sld [smem:$0x3FC9]  }
0x91: {  	s19 =	sld [smem:$0x3FC8]  }
0x92: {  	s4 =	sld [smem:$0x3FD0];
	(tm) =	ssettm $0x1  }
0x93: {  	s5 =	sld [smem:$0x3FFB];
	_ =	sdelay $0x3  }
0x94: {  	_ =	strace s5  }
0x95: {  	s5 =	sld [smem:$0x3FFC];
	_ =	sdelay $0x3  }
0x96: {  	_ =	strace s5  }
0x97: {  	s5 =	sld [smem:$0x3FFD];
	_ =	sdelay $0x3  }
0x98: {  	_ =	strace s5  }
0x99: {  	_ =	strace $0x8FFFFFFF  }
0x9a: {  	s20 =	sld [smem:$0x3FDB];
	_ =	sdelay $0x1  }
0x9b: {  	s6 =	simm.s32 $_scs_section_size  }
0x9c: {  	s7 =	simm.s32 $_size__tile_overlayer_lowered;
	s8 =	simm.s32 $_tile_overlayer_lowered  }
0x9d: {  	s23 =	simm.s32 $0x1BFF;
	s22 =	sshll.u32 s8, $0x1;
	s5 =	sadd.s32 s6, s20  }
0x9e: {  	s9 =	simm.s32 $0x0;
	s21 =	sshll.u32 s7, $0x1;
	s7 =	sadd.s32 s22, s5  }
0x9f: {  	[timem:s9], [sflag:s23] =	dma.local [hbm:s7], s21  }
0xa0: {  	_ =	swait.ge [sflag:s23], s21  }
0xa1: {  	s6 =	ssub.s32 $0x0, s21;
	[sflag:s23] =	ssyncset.done $0x0  }
0xa2: {  	[sflag:s23] =	ssyncadd.s32 s6;
	_ =	sdelay $0x1  }
0xa3: {  	s24 =	simm.s32 $0x1B8B  }
0xa4: {  	_ =	swait.ge [sflag:s24], $0x1  }
0xa5: {  	[sflag:s24] =	ssyncset.done $0x0  }
0xa6: {  	s25 =	simm.s32 $0x1B8E;
	[sflag:s24] =	ssyncadd.s32 $0xFFFFFFFF  }
0xa7: {  	s26 =	simm.s32 $execute0_lowered;
	[smem:$0x3FD2] =	sst s25  }
0xa8: {  	s6 =	sshll.u32 s26, $0x1;
	_ =	strace $0x80000046;
	[dreg:$0x1] =	wrdreg $0xFFFFFFFF  }
0xa9: {  	s28 =	simm.s32 $_size_execute0_lowered;
	s5 =	sadd.s32 s5, s6;
	[dreg:$0x0] =	wrdreg $0x0  }
0xaa: {  	s6 =	sshll.u32 s28, $0x1;
	[dreg:$0x2] =	wrdreg s5  }
0xab: {  	[dreg:$0x3] =	wrdreg s6  }
0xac: {  	[dreg:$0x4] =	wrdreg $0xC0  }
0xad: {  	_ =	task [dreg:s9], $0x5FFFF  }
0xae: {  	[dreg:$0x1] =	wrdreg $0xFFFFFFFF  }
0xaf: {  	[dreg:$0x0] =	wrdreg $0x60  }
0xb0: {  	[dreg:$0x2] =	wrdreg s2  }
0xb1: {  	[dreg:$0x3] =	wrdreg s19  }
0xb2: {  	[dreg:$0x4] =	wrdreg s4  }
0xb3: {  	[dreg:$0x5] =	wrdreg $0x9  }
0xb4: {  	_ =	task.clear_ibuf [dreg:s9], $0x6FFFF;
	_ =	strace $0x90000046  }
0xb5: {  	s29 =	simm.s32 $0x9;
	_ =	strace $0x80000048  }
0xb6: {  	_ =	swait.ge [sflag:s29], $0x1  }
0xb7: {  	[sflag:s29] =	ssyncadd.s32 $0xFFFFFFFF  }
0xb8: {  	_ =	strace $0x90000048  }
0xb9: {  	_ =	sfence  }
0xba: {  	s30 =	sld [smem:$0x0];
	_ =	sdelay $0x2  }
0xbb: {  	s31 =	sshll.u32 s1, $0xD;
	s1 =	sshrl.u32 s1, $0x2  }
0xbc: {  	s3 =	sand.u32 $0x4000, s31;
	s1 =	sadd.s32 s1, s30  }
0xbd: {  	s0 =	sor.u32 s3, s0;
	s1 =	sshll.u32 s1, $0x11  }
0xbe: {  	s0 =	sor.u32 s1, s0  }
0xbf: {  	s0 =	sadd.s32 $0x8F2B, s0  }
0xc0: {  	[sflag:s0] =	ssyncadd.remote.s32 $0x1  }
0xc1: {  	_ =	sfence.sel $0xFFFF  }
0xc2: {  	[dreg:$0x0] =	wrdreg $0xFFFFFFFF;
	(pc) =	sbr.abs _section_cstart, $3  }
0xc3: {  	[dreg:$0x1] =	wrdreg $0xFFFFFFFF  }
0xc4: {  	_ =	task.clear_ibuf [dreg:s9], $0x2FFFF;
	_ =	strace $0x9FFFFFFF  }
0xc5: {  	(tm) =	ssettm $0x7FFFFFFF  }
tec
execute0_lowered:
.L_overlay_start_1:
0x0: {  	(tag) =	ssettag $0x1  }
0x1: {  	s3 =	rddreg [dreg:$0x0];
	s0 =	srdreg.scid  }
0x2: {  	s4 =	rddreg [dreg:$0x2];
	s1 =	stileid.u32;
	s5 =	simm.s32 $0x0  }
0x3: {  	s14 =	simm.s32 $0x1000;
	s0 =	sand.u32 $0x1, s0;
	s1 =	sshll.u32 s1, $0xA  }
0x4: {  	[smem:$0x7FF] =	sst s5;
	s30 =	sadd.s32 $0x40, s4;
	s2 =	sshll.u32 s0, $0x9  }
0x5: {  	s0 =	ssub.s32 $0x2, s0;
	_ =	strace $0x80000047;
	s1 =	sor.u32 s2, s1  }
0x6: {  	[dreg:$0x7] =	wrdreg s30;
	s26 =	sshrl.u32 s0, $0x1;
	s28 =	sshll.u32 s1, $0x9  }
0x7: {  	s1 =	sshrl.u32 s1, $0x3;
	[dreg:$0x4] =	wrdreg s28;
	s29 =	sadd.s32 s3, s28  }
.Ltmp0:
0x8: {  	s31 =	sor.u32 $0x2, s1;
	[dreg:$0x5] =	wrdreg s29;
	(pc) =	sbr.rel .LBB2_1-.Ltmp0, $4  }
0x9: {  	s0 =	ssub.s32 s0, s26;
	s1 =	sor.u32 $0x3, s1;
	[dreg:$0x8] =	wrdreg s31  }
0xa: {  	s15 =	simm.s32 $0x9000;
	s0 =	smax.u32 s0, $0x1;
	[dreg:$0x9] =	wrdreg s1  }
0xb: {  	s9 =	simm.s32 $0x200;
	s2 =	sadd.s32 $0x1000, s29;
	[dreg:$0xa] =	wrdreg s0  }
0xc: {  	s18 =	simm.s32 $0x400;
	[dreg:$0x6] =	wrdreg s2;
	s2 =	simm.s32 $0x0  }
.LBB2_12:
0xd: {  	s0 =	simm.s32 $0x3  }
0xe: {  	_ =	swait.ge [sflag:s0], $0x4000  }
0xf: {  	[sflag:s0] =	ssyncset.done $0x0  }
0x10: {  	s1 =	simm.s32 $0x4;
	[sflag:s0] =	ssyncadd.s32 $0xFFFFC000  }
0x11: {  	_ =	swait.ge [sflag:s1], $0x4000  }
0x12: {  	s2 =	rddreg [dreg:$0xb]  }
0x13: {  	s31 =	rddreg [dreg:$0xa];
	s2 =	sadd.s32 $0x1, s2  }
0x14: {  	p0 =	sne.s32 s2, s31  }
.Ltmp1:
0x15: {  	_ = 	snop;
	(pc) =	sbr.rel @!p0 .LBB2_13-.Ltmp1, $3  }
0x16: {  	_ =	sdelay $0x1  }
0x17: {  	[sflag:s1] =	ssyncset.done $0x0  }
0x18: {  	[sflag:s1] =	ssyncadd.s32 $0xFFFFC000  }
.LBB2_1:
0x19: {  	[dreg:$0xb] =	wrdreg s2  }
0x1a: {  	s0 =	rddreg [dreg:$0x1];
	s1 =	simm.s32 $0x0;
	s29 =	simm.s32 $0x5  }
0x1b: {  	[tilespmem:s1], [sflag:$0x5] =	stream.linear.gather [hbm4b:s0+s1], $0x1000, $0x38;
	[tilespmem:$0x19000] =	vst v63  }
0x1c: {  	_ =	swait.ge [sflag:s29], $0x1000  }
0x1d: {  	[sflag:s29] =	ssyncset.done $0x0  }
0x1e: {  	s30 =	rddreg [dreg:$0x5];
	[sflag:s29] =	ssyncadd.s32 $0xFFFFF000  }
0x1f: {  	[tilespmem:s14], [sflag:$0x1] =	stream.linear.gather [hbm4b:s30+s1], $0x8000, $0x38;
	[tilespmem:$0x19000] =	vst v63  }
0x20: {  	s25 =	simm.s32 $0x0;
	s31 =	rddreg [dreg:$0x6]  }
0x21: {  	[tilespmem:s15], [sflag:$0x2] =	stream.linear.gather [hbm4b:s31+s1], $0x8000, $0x38;
	[tilespmem:$0x19000] =	vst v63  }
.LBB2_2:
0x22: {  	s0 =	simm.s32 $0x1  }
0x23: {  	_ =	swait.ge [sflag:s0], $0x8000  }
0x24: {  	p0 =	seq.s32 s25, $0x0;
	[sflag:s0] =	ssyncset.done $0x0  }
0x25: {  	s2 =	simm.s32 $0x0;
	s1 =	simm.s32 @!p0 $0x3;
	[sflag:s0] =	ssyncadd.s32 $0xFFFF8000  }
0x26: {  	s13 =	sand.u32 $0x40, s2;
	_ =	swait.ge @!p0 [sflag:s1], $0x4000  }
0x27: {  	s3 =	sand.u32 $0xF80, s2;
	s4 =	sor.u32 $0x30, s13;
	[sflag:s1] =	ssyncset.done @!p0 $0x0  }
0x28: {  	s19 =	sor.u32 s4, s3;
	[sflag:s1] =	ssyncadd.s32 @!p0 $0xFFFFC000  }
0x29: {  	s6 =	sor.u32 $0x10, s13;
	v0 =	vld [tilespmem:s19+$0x0]  }
0x2a: {  	s8 =	sor.u32 $0x20, s13;
	s20 =	sor.u32 s6, s3  }
0x2b: {  	s21 =	sor.u32 s8, s3;
	v1 =	vld [tilespmem:s20+$0x0]  }
0x2c: {  	v2 =	vld [tilespmem:s21+$0x0];
	_ =	sdelay $0x1  }
0x2d: {  	v3 =	vshll.u32 v0, $0x3  }
0x2e: {  	v0 =	vand.u32 $0x7F, v0;
	v3 =	vand.u32 $0xFFFFFC00, v3  }
0x2f: {  	v0 =	vor.u32 v0, v3;
	v3 =	vshll.u32 v1, $0x3  }
0x30: {  	v4 =	vshll.u32 v2, $0x3;
	v1 =	vand.u32 $0x7F, v1;
	v3 =	vand.u32 $0xFFFFFC00, v3  }
0x31: {  	v2 =	vand.u32 $0x7F, v2;
	v1 =	vor.u32 v1, v3;
	v3 =	vand.u32 $0xFFFFFC00, v4  }
0x32: {  	v2 =	vor.u32 v2, v3;
	_ =	sdelay $0x1  }
0x33: {  	s23 =	simm.s32 $0x0;
	s24 =	simm.s32 $0x40;
	v3 =	vld.idx.msk [tilespmem:v0+s14+$0x0], $0xffff  }
0x34: {  	s22 =	sand.u32 $0x3E00, s2;
	s2 =	sand.u32 $0x40, s24;
	v6 =	vld [tilespmem:s23+$0x0];
	v4 =	vor.u32 $0x80, v0  }
0x35: {  	s26 =	sor.u32 $0x30, s2;
	s3 =	sand.u32 $0xF80, s24;
	v5 =	vld.idx.msk [tilespmem:v1+s14+$0x0], $0xffff  }
0x36: {  	s7 =	sadd.s32 $0x11000, s22;
	s5 =	sor.u32 s26, s3;
	v7 =	vld.idx.msk [tilespmem:v2+s14+$0x0], $0xffff  }
0x37: {  	s10 =	sor.u32 s4, s7;
	v9 =	vld [tilespmem:s5+$0x0];
	v8 =	vor.u32 $0x80, v2  }
0x38: {  	s31 =	sor.u32 $0x10, s2;
	[tilespmem:s10+$0x0] =	vst v3  }
0x39: {  	s16 =	sor.u32 $0x20, s2;
	s6 =	sor.u32 s6, s7;
	s11 =	sor.u32 s31, s3;
	v11 =	vshll.u32 v6, $0x3;
	v3 =	vor.u32 $0x80, v1;
	v4 =	vld.idx.msk [tilespmem:v4+s14+$0x0], $0xffff  }
0x3a: {  	s8 =	sor.u32 s8, s7;
	s3 =	sor.u32 s16, s3;
	v10 =	vld [tilespmem:s11+$0x0];
	v6 =	vand.u32 $0x7F, v6;
	v11 =	vand.u32 $0xFFFFFC00, v11;
	v12 =	vor.u32 $0x100, v0;
	[tilespmem:s6+$0x0] =	vst v5  }
0x3b: {  	v13 =	vld [tilespmem:s3+$0x0];
	v5 =	vor.u32 v6, v11;
	[tilespmem:s8+$0x0] =	vst v7  }
0x3c: {  	v11 =	vshll.u32 v9, $0x3;
	v8 =	vld.idx.msk [tilespmem:v8+s14+$0x0], $0xffff  }
0x3d: {  	s24 =	simm.s32 $0x80;
	v9 =	vand.u32 $0x7F, v9;
	v7 =	vor.u32 $0x100, v2;
	v11 =	vand.u32 $0xFFFFFC00, v11  }
0x3e: {  	p1 =	por $0x0, $0x0;
	s28 =	sand.u32 $0x40, s24;
	s3 =	simm.s32 $0x1;
	v9 =	vor.u32 v9, v11;
	v3 =	vld.idx.msk [tilespmem:v3+s14+$0x0], $0xffff;
	[tilespmem:s10+$0x80] =	vst v4  }
0x3f: {  	s0 =	sor.u32 $0x30, s28;
	s11 =	sand.u32 $0xF80, s24;
	s3 =	simm.s32 @!p1 $0x0;
	v6 =	vor.u32 $0x100, v1;
	v12 =	vld.idx.msk [tilespmem:v12+s14+$0x0], $0xffff  }
0x40: {  	s21 =	sor.u32 s13, s7;
	s13 =	sor.u32 s0, s11;
	s3 =	sshll.u32 s3, $0x6;
	v0 =	vor.u32 $0x180, v0;
	v4 =	vshll.u32 v10, $0x3;
	v14 =	vld.idx.msk [tilespmem:v5+s14+$0x0], $0xffff  }
0x41: {  	v16 =	vld [tilespmem:s13+$0x0];
	s3 =	sadd.s32 $0x0, s3;
	v11 =	vshll.u32 v13, $0x3;
	v10 =	vand.u32 $0x7F, v10;
	v4 =	vand.u32 $0xFFFFFC00, v4;
	[tilespmem:s8+$0x80] =	vst v8  }
0x42: {  	s17 =	sadd.s32 $0x30, s3;
	v11 =	vand.u32 $0xFFFFFC00, v11;
	v4 =	vor.u32 v10, v4;
	v10 =	vand.u32 $0x7F, v13;
	v7 =	vld.idx.msk [tilespmem:v7+s14+$0x0], $0xffff  }
0x43: {  	s19 =	sor.u32 $0x100, s17;
	v8 =	vor.u32 $0x80, v5;
	[tilespmem:s6+$0x80] =	vst v3;
	v3 =	vor.u32 v10, v11;
	v10 =	vld.idx.msk [tilespmem:v9+s14+$0x0], $0xffff  }
0x44: {  	s23 =	simm.s32 $0x40;
	v6 =	vld.idx.msk [tilespmem:v6+s14+$0x0], $0xffff;
	[tilespmem:s19+$0x11000] =	vst v12  }
0x45: {  	s20 =	simm.s32 $0x100;
	[tilespmem:s21+$0x0] =	vst v14;
	v14 =	vld [tilespmem:s23+$0x0]  }
0x46: {  	s22 =	sand.u32 $0x3E00, s20;
	v11 =	vld.idx.msk [tilespmem:v0+s14+$0x0], $0xffff;
	v0 =	vor.u32 $0x80, v9  }
0x47: {  	s7 =	sadd.s32 $0x11000, s22;
	v1 =	vor.u32 $0x180, v1;
	v12 =	vld.idx.msk [tilespmem:v4+s14+$0x0], $0xffff  }
0x48: {  	s1 =	sor.u32 $0x10, s28;
	s26 =	sor.u32 s26, s7;
	s12 =	sadd.s32 $0x10, s3;
	v8 =	vld.idx.msk [tilespmem:v8+s14+$0x0], $0xffff  }
0x49: {  	s20 =	sor.u32 s1, s11;
	s19 =	sor.u32 $0x100, s12;
	v13 =	vld.idx.msk [tilespmem:v3+s14+$0x0], $0xffff;
	[tilespmem:s26+$0x0] =	vst v10;
	v10 =	vor.u32 $0x80, v4  }
0x4a: {  	v15 =	vor.u32 $0x80, v3;
	[tilespmem:s19+$0x11000] =	vst v6;
	v6 =	vld [tilespmem:s20+$0x0]  }
0x4b: {  	s29 =	sor.u32 $0x20, s28;
	v17 =	vor.u32 $0x100, v5;
	v0 =	vld.idx.msk [tilespmem:v0+s14+$0x0], $0xffff  }
0x4c: {  	s11 =	sor.u32 s29, s11;
	s4 =	sor.u32 s31, s7;
	v19 =	vor.u32 $0x100, v9;
	v18 =	vld.idx.msk [tilespmem:v1+s14+$0x0], $0xffff;
	v1 =	vshll.u32 v14, $0x3  }
0x4d: {  	v20 =	vld [tilespmem:s11+$0x0];
	s5 =	sor.u32 s16, s7;
	v2 =	vor.u32 $0x180, v2;
	v14 =	vand.u32 $0x7F, v14;
	v1 =	vand.u32 $0xFFFFFC00, v1;
	[tilespmem:s4+$0x0] =	vst v12  }
0x4e: {  	v12 =	vor.u32 v14, v1;
	v1 =	vld.idx.msk [tilespmem:v10+s14+$0x0], $0xffff;
	[tilespmem:s5+$0x0] =	vst v13  }
0x4f: {  	s31 =	sadd.s32 $0x20, s3;
	v14 =	vor.u32 $0x100, v3;
	[tilespmem:s21+$0x80] =	vst v8;
	v8 =	vshll.u32 v16, $0x3;
	v10 =	vor.u32 $0x100, v4;
	v15 =	vld.idx.msk [tilespmem:v15+s14+$0x0], $0xffff  }
0x50: {  	p1 =	por !p1, !p1;
	s13 =	sor.u32 $0x100, s31;
	s8 =	simm.s32 $0x1;
	v21 =	vld.idx.msk [tilespmem:v17+s14+$0x0], $0xffff;
	v13 =	vand.u32 $0x7F, v16;
	v8 =	vand.u32 $0xFFFFFC00, v8;
	[tilespmem:s26+$0x80] =	vst v0;
	v0 =	vshll.u32 v6, $0x3  }
0x51: {  	s6 =	sor.u32 $0x180, s17;
	s8 =	simm.s32 @!p1 $0x0;
	[tilespmem:s13+$0x11000] =	vst v7;
	v7 =	vld.idx.msk [tilespmem:v19+s14+$0x0], $0xffff;
	v16 =	vand.u32 $0xFFFFFC00, v0;
	v0 =	vor.u32 v13, v8  }
0x52: {  	s30 =	simm.s32 $0x200;
	s16 =	sshll.u32 s8, $0x6;
	[tilespmem:s6+$0x11000] =	vst v11;
	v8 =	vshll.u32 v20, $0x3;
	v19 =	vld.idx.msk [tilespmem:v2+s14+$0x0], $0xffff;
	v2 =	vand.u32 $0x7F, v6;
	v6 =	vor.u32 $0x180, v9  }
0x53: {  	s17 =	sor.u32 $0x100, s3;
	s8 =	sor.u32 $0x180, s3;
	s24 =	sadd.s32 $0x100, s16;
	v22 =	vld.idx.msk [tilespmem:v12+s14+$0x0], $0xffff;
	v8 =	vand.u32 $0xFFFFFC00, v8;
	v23 =	vor.u32 v2, v16;
	v2 =	vand.u32 $0x7F, v20;
	[tilespmem:s4+$0x80] =	vst v1  }
0x54: {  	s22 =	sadd.s32 $0x10, s24;
	s19 =	sor.u32 $0x180, s12;
	s6 =	sadd.s32 $0x30, s24;
	v20 =	vor.u32 v2, v8;
	v13 =	vld.idx.msk [tilespmem:v10+s14+$0x0], $0xffff;
	[tilespmem:s5+$0x80] =	vst v15  }
0x55: {  	s10 =	sor.u32 $0x100, s22;
	s13 =	simm.s32 $0x8;
	s23 =	sor.u32 $0x100, s6;
	v3 =	vor.u32 $0x180, v3;
	[tilespmem:s19+$0x11000] =	vst v18;
	v14 =	vld.idx.msk [tilespmem:v14+s14+$0x0], $0xffff  }
0x56: {  	s12 =	sor.u32 s2, s7;
	s7 =	sor.u32 $0x100, s24;
	s2 =	sor.u32 $0x180, s24;
	v4 =	vor.u32 $0x180, v4;
	v9 =	vor.u32 $0x80, v12;
	v1 =	vor.u32 $0x180, v5;
	v17 =	vld.idx.msk [tilespmem:v0+s14+$0x0], $0xffff;
	[tilespmem:s23+$0x11000] =	vst v7  }
0x57: {  	s20 =	sand.u32 $0x3E00, s30;
	s21 =	sor.u32 $0x180, s31;
	s31 =	sadd.s32 $0x20, s24;
	v5 =	vor.u32 $0x100, v12;
	[tilespmem:s17+$0x11000] =	vst v21;
	v2 =	vor.u32 $0x180, v12;
	v10 =	vor.u32 $0x80, v23;
	v16 =	vld.idx.msk [tilespmem:v6+s14+$0x0], $0xffff  }
0x58: {  	s24 =	simm.s32 $0x80;
	s3 =	sor.u32 $0x180, s31;
	s19 =	sor.u32 $0x100, s31;
	v11 =	vor.u32 $0x180, v23;
	v12 =	vor.u32 $0x80, v20;
	[tilespmem:s21+$0x11000] =	vst v19;
	v19 =	vor.u32 $0x80, v0;
	v15 =	vld.idx.msk [tilespmem:v23+s14+$0x0], $0xffff  }
0x59: {  	s26 =	sshll.u32 s25, $0x1;
	s4 =	simm.s32 $0xC0;
	s5 =	sor.u32 $0x180, s22;
	v8 =	vor.u32 $0x180, v20;
	v7 =	vor.u32 $0x100, v20;
	[tilespmem:s12+$0x0] =	vst v22;
	v6 =	vor.u32 $0x100, v23;
	v18 =	vld.idx.msk [tilespmem:v20+s14+$0x0], $0xffff  }
.LBB2_3:
0x5a: {  	s31 =	sand.u32 $0xF80, s4;
	v20 =	vld [tilespmem:s24+$0x0];
	s20 =	sadd.s32 $0x11000, s20;
	[tilespmem:s10+$0x11000] =	vst v13;
	s11 =	smov.u32 s8  }
0x5b: {  	s8 =	sand.u32 $0x40, s4;
	s13 =	sadd.s32 $0x4, s13;
	s10 =	sor.u32 s0, s20;
	v13 =	vld.idx.msk [tilespmem:v9+s14+$0x0], $0xffff;
	[tilespmem:s19+$0x11000] =	vst v14  }
0x5c: {  	s6 =	sor.u32 $0x180, s6;
	s0 =	sor.u32 $0x30, s8;
	p2 =	slt.u32 s13, $0xFC;
	[tilespmem:s10+$0x0] =	vst v17;
	v14 =	vld.idx.msk [tilespmem:v4+s14+$0x0], $0xffff;
	v4 =	vmov v11  }
0x5d: {  	s19 =	sor.u32 $0x10, s8;
	s24 =	sor.u32 $0x20, s8;
	s16 =	sor.u32 s0, s31;
	v11 =	vld.idx.msk [tilespmem:v19+s14+$0x0], $0xffff;
	[tilespmem:s6+$0x11000] =	vst v16  }
0x5e: {  	s6 =	sor.u32 s19, s31;
	s31 =	sor.u32 s24, s31;
	v16 =	vld [tilespmem:s16+$0x0];
	s16 =	sor.u32 s28, s20  }
0x5f: {  	s28 =	smov.u32 s8;
	v17 =	vld [tilespmem:s6+$0x0];
	v9 =	vand.u32 $0x7F, v20;
	v19 =	vshll.u32 v20, $0x3;
	s6 =	sor.u32 s1, s20;
	s20 =	sor.u32 s29, s20;
	v20 =	vor.u32 $0x100, v0  }
0x60: {  	s8 =	smov.u32 s2;
	s1 =	smov.u32 s19;
	s29 =	smov.u32 s24;
	v21 =	vld [tilespmem:s31+$0x0];
	v19 =	vand.u32 $0xFFFFFC00, v19;
	[tilespmem:s6+$0x0] =	vst v15  }
0x61: {  	v15 =	vor.u32 v9, v19;
	v10 =	vld.idx.msk [tilespmem:v10+s14+$0x0], $0xffff;
	[tilespmem:s20+$0x0] =	vst v18  }
0x62: {  	v9 =	vor.u32 $0x80, v15;
	v18 =	vor.u32 $0x100, v15;
	v19 =	vor.u32 $0x180, v15;
	v12 =	vld.idx.msk [tilespmem:v12+s14+$0x0], $0xffff;
	[tilespmem:s12+$0x80] =	vst v13;
	s12 =	smov.u32 s16  }
0x63: {  	p1 =	por !p1, !p1;
	s2 =	simm.s32 $0x1;
	v13 =	vshll.u32 v16, $0x3;
	[tilespmem:s10+$0x80] =	vst v11;
	v22 =	vld.idx.msk [tilespmem:v5+s14+$0x0], $0xffff;
	v5 =	vmov v18  }
0x64: {  	s2 =	simm.s32 @!p1 $0x0;
	v16 =	vand.u32 $0x7F, v16;
	v11 =	vshll.u32 v17, $0x3;
	v13 =	vand.u32 $0xFFFFFC00, v13;
	v18 =	vld.idx.msk [tilespmem:v20+s14+$0x0], $0xffff;
	[tilespmem:s5+$0x11000] =	vst v14  }
0x65: {  	s2 =	sshll.u32 s2, $0x6;
	v11 =	vand.u32 $0xFFFFFC00, v11;
	v14 =	vshll.u32 v21, $0x3;
	v16 =	vor.u32 v16, v13;
	v20 =	vld.idx.msk [tilespmem:v3+s14+$0x0], $0xffff;
	v3 =	vmovc v8  }
0x66: {  	s2 =	sadd.s32 s2, s30;
	v8 =	vand.u32 $0x7F, v17;
	v13 =	vand.u32 $0xFFFFFC00, v14;
	v23 =	vld.idx.msk [tilespmem:v15+s14+$0x0], $0xffff;
	v15 =	vor.u32 $0x180, v0;
	v0 =	vmovc v16  }
0x67: {  	s16 =	sadd.s32 $0x20, s2;
	v24 =	vor.u32 v8, v11;
	v8 =	vand.u32 $0x7F, v21;
	[tilespmem:s6+$0x80] =	vst v10;
	v21 =	vld.idx.msk [tilespmem:v1+s14+$0x0], $0xffff;
	v1 =	vmovc v2;
	v2 =	vmov v19  }
0x68: {  	s19 =	sor.u32 $0x100, s16;
	s5 =	sadd.s32 $0x10, s2;
	v10 =	vor.u32 $0x80, v24;
	v25 =	vor.u32 v8, v13;
	s6 =	sadd.s32 $0x30, s2;
	v13 =	vld.idx.msk [tilespmem:v6+s14+$0x0], $0xffff;
	v6 =	vor.u32 $0x100, v24;
	[tilespmem:s20+$0x80] =	vst v12  }
.Ltmp2:
0x69: {  	s10 =	sor.u32 $0x100, s5;
	v11 =	vor.u32 $0x180, v24;
	v12 =	vor.u32 $0x80, v25;
	s20 =	sor.u32 $0x100, s6;
	v14 =	vld.idx.msk [tilespmem:v7+s14+$0x0], $0xffff;
	v7 =	vor.u32 $0x100, v25;
	[tilespmem:s7+$0x11000] =	vst v22;
	(pc) =	sbr.rel @p2 .LBB2_3-.Ltmp2, $4  }
0x6a: {  	s16 =	sor.u32 $0x180, s16;
	s5 =	sor.u32 $0x180, s5;
	v8 =	vor.u32 $0x180, v25;
	s7 =	sor.u32 $0x100, s2;
	v17 =	vld.idx.msk [tilespmem:v16+s14+$0x0], $0xffff;
	[tilespmem:s20+$0x11000] =	vst v18  }
0x6b: {  	s2 =	sor.u32 $0x180, s2;
	v16 =	vld.idx.msk [tilespmem:v15+s14+$0x0], $0xffff;
	[tilespmem:s3+$0x11000] =	vst v20;
	s3 =	smov.u32 s16  }
0x6c: {  	s30 =	sadd.s32 $0x100, s30;
	v19 =	vor.u32 $0x80, v0;
	v15 =	vld.idx.msk [tilespmem:v24+s14+$0x0], $0xffff;
	[tilespmem:s12+$0x0] =	vst v23  }
0x6d: {  	s4 =	sadd.s32 $0x40, s4;
	s24 =	sshra.s32 s30, $0x2;
	s20 =	sand.u32 $0x3E00, s30;
	v18 =	vld.idx.msk [tilespmem:v25+s14+$0x0], $0xffff;
	[tilespmem:s11+$0x11000] =	vst v21  }
0x6e: {  	v20 =	vld [tilespmem:s24+$0x0];
	_ =	sdelay $0x4  }
0x6f: {  	v21 =	vshll.u32 v20, $0x3  }
0x70: {  	v20 =	vand.u32 $0x7F, v20;
	v21 =	vand.u32 $0xFFFFFC00, v21  }
0x71: {  	v20 =	vor.u32 v20, v21  }
0x72: {  	s4 =	sadd.s32 $0x11000, s20  }
0x73: {  	[tilespmem:s10+$0x11000] =	vst v13;
	s0 =	sor.u32 s0, s4  }
0x74: {  	v9 =	vld.idx.msk [tilespmem:v9+s14+$0x0], $0xffff;
	[tilespmem:s0+$0x0] =	vst v17  }
0x75: {  	[tilespmem:s19+$0x11000] =	vst v14;
	s1 =	sor.u32 s1, s4;
	v17 =	vld.idx.msk [tilespmem:v19+s14+$0x0], $0xffff  }
0x76: {  	s24 =	sor.u32 s29, s4;
	[tilespmem:s1+$0x0] =	vst v15;
	v13 =	vld.idx.msk [tilespmem:v20+s14+$0x0], $0xffff  }
0x77: {  	s6 =	sor.u32 $0x180, s6;
	v10 =	vld.idx.msk [tilespmem:v10+s14+$0x0], $0xffff;
	[tilespmem:s24+$0x0] =	vst v18;
	v14 =	vor.u32 $0x80, v20  }
0x78: {  	[tilespmem:s6+$0x11000] =	vst v16;
	v12 =	vld.idx.msk [tilespmem:v12+s14+$0x0], $0xffff  }
0x79: {  	v4 =	vld.idx.msk [tilespmem:v4+s14+$0x0], $0xffff;
	[tilespmem:s12+$0x80] =	vst v9  }
0x7a: {  	s4 =	sor.u32 s28, s4;
	v3 =	vld.idx.msk [tilespmem:v3+s14+$0x0], $0xffff;
	v15 =	vor.u32 $0x100, v0;
	[tilespmem:s0+$0x80] =	vst v17  }
0x7b: {  	v5 =	vld.idx.msk [tilespmem:v5+s14+$0x0], $0xffff;
	[tilespmem:s4+$0x0] =	vst v13  }
0x7c: {  	p1 =	por !p1, !p1;
	s0 =	simm.s32 $0x1;
	[tilespmem:s1+$0x80] =	vst v10;
	v9 =	vld.idx.msk [tilespmem:v14+s14+$0x0], $0xffff  }
0x7d: {  	s0 =	simm.s32 @!p1 $0x0;
	v6 =	vld.idx.msk [tilespmem:v6+s14+$0x0], $0xffff;
	[tilespmem:s24+$0x80] =	vst v12;
	v13 =	vor.u32 $0x100, v20  }
0x7e: {  	[tilespmem:s5+$0x11000] =	vst v4;
	s0 =	sshll.u32 s0, $0x6;
	v4 =	vld.idx.msk [tilespmem:v7+s14+$0x0], $0xffff  }
0x7f: {  	[tilespmem:s3+$0x11000] =	vst v3;
	s0 =	sadd.s32 s0, s30;
	v14 =	vld.idx.msk [tilespmem:v15+s14+$0x0], $0xffff  }
0x80: {  	v1 =	vld.idx.msk [tilespmem:v1+s14+$0x0], $0xffff;
	v0 =	vor.u32 $0x180, v0;
	[tilespmem:s7+$0x11000] =	vst v5;
	s10 =	sadd.s32 $0x10, s0  }
0x81: {  	s12 =	sadd.s32 $0x20, s0;
	v2 =	vld.idx.msk [tilespmem:v2+s14+$0x0], $0xffff;
	s13 =	sor.u32 $0x100, s10;
	[tilespmem:s4+$0x80] =	vst v9  }
0x82: {  	s6 =	sadd.s32 $0x30, s0;
	s16 =	sor.u32 $0x100, s12;
	[tilespmem:s13+$0x11000] =	vst v6;
	v5 =	vld.idx.msk [tilespmem:v13+s14+$0x0], $0xffff  }
0x83: {  	v7 =	vor.u32 $0x180, v20;
	s11 =	sor.u32 $0x100, s6;
	[tilespmem:s16+$0x11000] =	vst v4;
	v4 =	vld.idx.msk [tilespmem:v11+s14+$0x0], $0xffff  }
0x84: {  	v3 =	vld.idx.msk [tilespmem:v8+s14+$0x0], $0xffff;
	[tilespmem:s11+$0x11000] =	vst v14  }
0x85: {  	[tilespmem:s8+$0x11000] =	vst v1;
	v0 =	vld.idx.msk [tilespmem:v0+s14+$0x0], $0xffff  }
0x86: {  	s17 =	sor.u32 $0x100, s0;
	[tilespmem:s2+$0x11000] =	vst v2  }
0x87: {  	s19 =	sor.u32 $0x180, s10;
	[tilespmem:s17+$0x11000] =	vst v5  }
0x88: {  	s20 =	sor.u32 $0x180, s12;
	[tilespmem:s19+$0x11000] =	vst v4;
	v1 =	vld.idx.msk [tilespmem:v7+s14+$0x0], $0xffff  }
0x89: {  	s1 =	sor.u32 $0x180, s6;
	[tilespmem:s20+$0x11000] =	vst v3  }
0x8a: {  	s22 =	rddreg [dreg:$0x2];
	[tilespmem:s1+$0x11000] =	vst v0  }
0x8b: {  	s21 =	sshll.u32 s25, $0xD;
	s2 =	rddreg [dreg:$0x4]  }
0x8c: {  	s23 =	simm.s32 $0x11000;
	s0 =	sor.u32 $0x180, s0;
	s28 =	sor.u32 s2, s21  }
0x8d: {  	s24 =	simm.s32 $0x0;
	s1 =	simm.s32 @!p0 $0x4;
	[tilespmem:s0+$0x11000] =	vst v1;
	s0 =	sadd.s32 s22, s28  }
0x8e: {  	[hbm4b:s0+s9] =	stream.strided.scatter [tilespmem:s23], [sflag:$0x3], $0x4000, s18, s9, $0x38;
	[tilespmem:$0x19000] =	vst v63  }
0x8f: {  	s0 =	sand.u32 $0x40, s24;
	_ =	swait.ge @!p0 [sflag:s1], $0x4000  }
0x90: {  	s4 =	sand.u32 $0xF80, s24;
	s5 =	sor.u32 $0x30, s0;
	[sflag:s1] =	ssyncset.done @!p0 $0x0  }
0x91: {  	s7 =	sor.u32 $0x10, s0;
	s6 =	sor.u32 s5, s4;
	[sflag:s1] =	ssyncadd.s32 @!p0 $0xFFFFC000  }
0x92: {  	s9 =	sor.u32 $0x20, s0;
	s8 =	sor.u32 s7, s4;
	v0 =	vld [tilespmem:s6+$0x0]  }
0x93: {  	s11 =	sor.u32 s9, s4;
	v1 =	vld [tilespmem:s8+$0x0]  }
0x94: {  	v2 =	vld [tilespmem:s11+$0x0];
	_ =	sdelay $0x2  }
0x95: {  	v3 =	vshll.u32 v0, $0x3  }
0x96: {  	v0 =	vand.u32 $0x7F, v0;
	v3 =	vand.u32 $0xFFFFFC00, v3  }
0x97: {  	s12 =	simm.s32 $0x40;
	v4 =	vshll.u32 v1, $0x3;
	v5 =	vshll.u32 v2, $0x3;
	v3 =	vor.u32 v0, v3  }
0x98: {  	s1 =	sand.u32 $0x40, s12;
	v4 =	vand.u32 $0xFFFFFC00, v4;
	v0 =	vand.u32 $0x7F, v1;
	v1 =	vor.u32 $0x200, v3  }
0x99: {  	s13 =	sand.u32 $0xF80, s12;
	s19 =	simm.s32 $0x0;
	s16 =	sor.u32 $0x30, s1;
	v2 =	vand.u32 $0x7F, v2;
	v5 =	vand.u32 $0xFFFFFC00, v5;
	v4 =	vor.u32 v0, v4  }
0x9a: {  	s6 =	sor.u32 $0x20, s1;
	v12 =	vld [tilespmem:s19+$0x0];
	s11 =	sor.u32 s16, s13;
	v5 =	vor.u32 v2, v5;
	v0 =	vor.u32 $0x200, v4  }
0x9b: {  	s8 =	sor.u32 s6, s13;
	v6 =	vld [tilespmem:s11+$0x0];
	v2 =	vor.u32 $0x200, v5  }
0x9c: {  	s10 =	sor.u32 $0x10, s1;
	v10 =	vld [tilespmem:s8+$0x0]  }
0x9d: {  	s17 =	sor.u32 s10, s13;
	v1 =	vld.idx.msk [tilespmem:v1+s14+$0x0], $0xffff  }
0x9e: {  	v8 =	vld [tilespmem:s17+$0x0];
	v7 =	vor.u32 $0x280, v3  }
0x9f: {  	s3 =	sand.u32 $0x3E00, s24;
	v0 =	vld.idx.msk [tilespmem:v0+s14+$0x0], $0xffff  }
0xa0: {  	s11 =	sadd.s32 $0x15000, s3;
	v9 =	vor.u32 $0x280, v4;
	v2 =	vld.idx.msk [tilespmem:v2+s14+$0x0], $0xffff  }
0xa1: {  	s4 =	sor.u32 s5, s11  }
0xa2: {  	v16 =	vshll.u32 v10, $0x3;
	v11 =	vor.u32 $0x280, v5;
	[tilespmem:s4+$0x0] =	vst v1  }
0xa3: {  	s20 =	sor.u32 s7, s11;
	v10 =	vand.u32 $0x7F, v10;
	v14 =	vor.u32 $0x300, v5;
	v15 =	vor.u32 $0x300, v3;
	v7 =	vld.idx.msk [tilespmem:v7+s14+$0x0], $0xffff  }
0xa4: {  	s22 =	simm.s32 $0x80;
	s23 =	simm.s32 $0x100;
	s21 =	sor.u32 s9, s11;
	v13 =	vor.u32 $0x300, v4;
	v1 =	vshll.u32 v8, $0x3;
	[tilespmem:s20+$0x0] =	vst v0;
	v0 =	vshll.u32 v6, $0x3  }
0xa5: {  	s8 =	sand.u32 $0x40, s22;
	s5 =	sand.u32 $0x3E00, s23;
	[tilespmem:s21+$0x0] =	vst v2;
	v2 =	vshll.u32 v12, $0x3;
	v6 =	vand.u32 $0x7F, v6;
	v9 =	vld.idx.msk [tilespmem:v9+s14+$0x0], $0xffff;
	v0 =	vand.u32 $0xFFFFFC00, v0  }
0xa6: {  	s13 =	sand.u32 $0xF80, s22;
	s3 =	sadd.s32 $0x15000, s5;
	s5 =	sor.u32 $0x10, s8;
	v8 =	vand.u32 $0x7F, v8;
	v1 =	vand.u32 $0xFFFFFC00, v1;
	v6 =	vor.u32 v6, v0  }
0xa7: {  	s9 =	sor.u32 s5, s13;
	v11 =	vld.idx.msk [tilespmem:v11+s14+$0x0], $0xffff;
	v2 =	vand.u32 $0xFFFFFC00, v2;
	v0 =	vand.u32 $0xFFFFFC00, v16;
	v16 =	vor.u32 $0x200, v6  }
0xa8: {  	s7 =	sor.u32 $0x30, s8;
	v17 =	vld [tilespmem:s9+$0x0];
	v1 =	vor.u32 v8, v1;
	v8 =	vand.u32 $0x7F, v12;
	v0 =	vor.u32 v10, v0;
	[tilespmem:s4+$0x80] =	vst v7  }
0xa9: {  	s24 =	sor.u32 s7, s13;
	v2 =	vor.u32 v8, v2;
	v8 =	vor.u32 $0x200, v0;
	v10 =	vld.idx.msk [tilespmem:v15+s14+$0x0], $0xffff  }
0xaa: {  	p0 =	por $0x0, $0x0;
	v7 =	vor.u32 $0x200, v1;
	s4 =	simm.s32 $0x1;
	[tilespmem:s20+$0x80] =	vst v9;
	v15 =	vld [tilespmem:s24+$0x0]  }
0xab: {  	v12 =	vor.u32 $0x200, v2;
	s4 =	simm.s32 @!p0 $0x0;
	v9 =	vld.idx.msk [tilespmem:v13+s14+$0x0], $0xffff  }
0xac: {  	[tilespmem:s21+$0x80] =	vst v11;
	s4 =	sshll.u32 s4, $0x6;
	v11 =	vld.idx.msk [tilespmem:v16+s14+$0x0], $0xffff  }
0xad: {  	v13 =	vld.idx.msk [tilespmem:v14+s14+$0x0], $0xffff;
	v14 =	vor.u32 $0x280, v6;
	s2 =	sadd.s32 $0x0, s4  }
0xae: {  	v3 =	vor.u32 $0x380, v3;
	v8 =	vld.idx.msk [tilespmem:v8+s14+$0x0], $0xffff;
	s12 =	sadd.s32 $0x30, s2  }
0xaf: {  	s4 =	sor.u32 $0x20, s8;
	v7 =	vld.idx.msk [tilespmem:v7+s14+$0x0], $0xffff;
	s17 =	sor.u32 $0x100, s12  }
0xb0: {  	s16 =	sor.u32 s16, s3;
	v12 =	vld.idx.msk [tilespmem:v12+s14+$0x0], $0xffff;
	v16 =	vor.u32 $0x280, v0;
	s13 =	sor.u32 s4, s13;
	[tilespmem:s17+$0x15000] =	vst v10  }
0xb1: {  	v10 =	vld [tilespmem:s13+$0x0];
	[tilespmem:s16+$0x0] =	vst v11;
	v11 =	vor.u32 $0x280, v1  }
0xb2: {  	v18 =	vor.u32 $0x280, v2;
	s21 =	sor.u32 s6, s3;
	v14 =	vld.idx.msk [tilespmem:v14+s14+$0x0], $0xffff  }
0xb3: {  	s10 =	sor.u32 s10, s3;
	v19 =	vor.u32 $0x300, v6;
	s20 =	simm.s32 $0x40;
	v3 =	vld.idx.msk [tilespmem:v3+s14+$0x0], $0xffff;
	[tilespmem:s21+$0x0] =	vst v8  }
0xb4: {  	s0 =	sor.u32 s0, s11;
	v5 =	vor.u32 $0x380, v5;
	[tilespmem:s10+$0x0] =	vst v7;
	v7 =	vld [tilespmem:s20+$0x0]  }
0xb5: {  	v4 =	vor.u32 $0x380, v4;
	v20 =	vor.u32 $0x300, v1;
	[tilespmem:s0+$0x0] =	vst v12;
	v12 =	vld.idx.msk [tilespmem:v16+s14+$0x0], $0xffff  }
0xb6: {  	s11 =	simm.s32 $0x1;
	v22 =	vor.u32 $0x300, v2;
	v21 =	vor.u32 $0x300, v0;
	s19 =	sadd.s32 $0x20, s2;
	v8 =	vld.idx.msk [tilespmem:v11+s14+$0x0], $0xffff;
	v11 =	vshll.u32 v15, $0x3  }
0xb7: {  	p0 =	por !p0, !p0;
	s23 =	sor.u32 $0x100, s19;
	s13 =	sadd.s32 $0x10, s2;
	v16 =	vshll.u32 v17, $0x3;
	v15 =	vand.u32 $0x7F, v15;
	v11 =	vand.u32 $0xFFFFFC00, v11;
	[tilespmem:s16+$0x80] =	vst v14;
	v14 =	vld.idx.msk [tilespmem:v18+s14+$0x0], $0xffff  }
0xb8: {  	s11 =	simm.s32 @!p0 $0x0;
	s22 =	sor.u32 $0x100, s13;
	[tilespmem:s23+$0x15000] =	vst v13;
	v17 =	vand.u32 $0x7F, v17;
	v18 =	vshll.u32 v10, $0x3;
	v11 =	vor.u32 v15, v11;
	v15 =	vld.idx.msk [tilespmem:v19+s14+$0x0], $0xffff  }
0xb9: {  	s24 =	sshll.u32 s11, $0x6;
	[tilespmem:s22+$0x15000] =	vst v9;
	v5 =	vld.idx.msk [tilespmem:v5+s14+$0x0], $0xffff;
	v9 =	vand.u32 $0xFFFFFC00, v16;
	v16 =	vand.u32 $0xFFFFFC00, v18;
	v18 =	vor.u32 $0x200, v11  }
0xba: {  	v6 =	vor.u32 $0x380, v6;
	s6 =	sadd.s32 $0x100, s24;
	v4 =	vld.idx.msk [tilespmem:v4+s14+$0x0], $0xffff;
	v9 =	vor.u32 v17, v9;
	[tilespmem:s21+$0x80] =	vst v12  }
0xbb: {  	v10 =	vand.u32 $0x7F, v10;
	v13 =	vshll.u32 v7, $0x3;
	v7 =	vand.u32 $0x7F, v7;
	v12 =	vld.idx.msk [tilespmem:v21+s14+$0x0], $0xffff;
	[tilespmem:s10+$0x80] =	vst v8;
	s10 =	sadd.s32 $0x30, s6  }
0xbc: {  	s16 =	simm.s32 $0xC0;
	v10 =	vor.u32 v10, v16;
	v8 =	vand.u32 $0xFFFFFC00, v13;
	v13 =	vor.u32 $0x200, v9;
	v16 =	vld.idx.msk [tilespmem:v20+s14+$0x0], $0xffff;
	s9 =	sor.u32 $0x100, s10;
	[tilespmem:s0+$0x80] =	vst v14  }
0xbd: {  	s29 =	sand.u32 $0x40, s16;
	v7 =	vor.u32 v7, v8;
	v8 =	vor.u32 $0x200, v10;
	[tilespmem:s9+$0x15000] =	vst v15;
	v15 =	vld.idx.msk [tilespmem:v22+s14+$0x0], $0xffff  }
0xbe: {  	s17 =	simm.s32 $0x200;
	s20 =	sand.u32 $0xF80, s16;
	s0 =	sor.u32 $0x30, s29;
	v18 =	vld.idx.msk [tilespmem:v18+s14+$0x0], $0xffff  }
0xbf: {  	s11 =	sand.u32 $0x3E00, s17;
	v17 =	vor.u32 $0x200, v7;
	s21 =	sor.u32 s0, s20;
	v6 =	vld.idx.msk [tilespmem:v6+s14+$0x0], $0xffff  }
0xc0: {  	s12 =	sor.u32 $0x180, s12;
	s11 =	sadd.s32 $0x15000, s11;
	v14 =	vor.u32 $0x280, v11;
	v19 =	vld [tilespmem:s21+$0x0]  }
0xc1: {  	s22 =	sor.u32 s7, s11;
	s7 =	sadd.s32 $0x10, s6;
	s31 =	sor.u32 $0x20, s29;
	v13 =	vld.idx.msk [tilespmem:v13+s14+$0x0], $0xffff  }
0xc2: {  	s24 =	sor.u32 $0x100, s7;
	[tilespmem:s12+$0x15000] =	vst v3;
	s16 =	sor.u32 s31, s20;
	v20 =	vor.u32 $0x380, v1;
	v8 =	vld.idx.msk [tilespmem:v8+s14+$0x0], $0xffff  }
0xc3: {  	[tilespmem:s24+$0x15000] =	vst v16;
	v16 =	vld [tilespmem:s16+$0x0]  }
0xc4: {  	s13 =	sor.u32 $0x180, s13;
	s30 =	sor.u32 $0x10, s29;
	v3 =	vld.idx.msk [tilespmem:v17+s14+$0x0], $0xffff;
	v17 =	vor.u32 $0x280, v9;
	[tilespmem:s22+$0x0] =	vst v18  }
0xc5: {  	s19 =	sor.u32 $0x180, s19;
	[tilespmem:s13+$0x15000] =	vst v4;
	s23 =	sor.u32 s30, s20;
	v18 =	vor.u32 $0x280, v10;
	v4 =	vld.idx.msk [tilespmem:v14+s14+$0x0], $0xffff  }
0xc6: {  	v23 =	vor.u32 $0x380, v2;
	[tilespmem:s19+$0x15000] =	vst v5;
	s13 =	sor.u32 s5, s11;
	v22 =	vor.u32 $0x380, v0;
	v14 =	vld [tilespmem:s23+$0x0]  }
0xc7: {  	s17 =	sor.u32 s4, s11;
	v24 =	vor.u32 $0x300, v9;
	v21 =	vor.u32 $0x300, v11;
	v5 =	vor.u32 $0x280, v7;
	s9 =	simm.s32 $0x80;
	v20 =	vld.idx.msk [tilespmem:v20+s14+$0x0], $0xffff;
	[tilespmem:s13+$0x0] =	vst v13  }
0xc8: {  	s4 =	sor.u32 s1, s3;
	s19 =	sadd.s32 $0x20, s6;
	v26 =	vor.u32 $0x380, v11;
	v2 =	vor.u32 $0x380, v10;
	v1 =	vor.u32 $0x380, v9;
	v13 =	vld [tilespmem:s9+$0x0];
	[tilespmem:s17+$0x0] =	vst v8  }
0xc9: {  	v25 =	vor.u32 $0x300, v7;
	v0 =	vor.u32 $0x380, v7;
	s21 =	sor.u32 $0x100, s19;
	v8 =	vld.idx.msk [tilespmem:v17+s14+$0x0], $0xffff;
	[tilespmem:s4+$0x0] =	vst v3;
	v3 =	vshll.u32 v19, $0x3  }
0xca: {  	[tilespmem:s21+$0x15000] =	vst v12;
	v9 =	vor.u32 $0x300, v10;
	s23 =	sor.u32 $0x100, s2;
	v17 =	vand.u32 $0x7F, v19;
	v7 =	vld.idx.msk [tilespmem:v18+s14+$0x0], $0xffff;
	v3 =	vand.u32 $0xFFFFFC00, v3  }
0xcb: {  	p0 =	por !p0, !p0;
	v27 =	vld.idx.msk [tilespmem:v22+s14+$0x0], $0xffff;
	[tilespmem:s23+$0x15000] =	vst v15;
	v10 =	vshll.u32 v14, $0x3;
	v3 =	vor.u32 v17, v3;
	v12 =	vand.u32 $0x7F, v14  }
0xcc: {  	s3 =	sor.u32 $0x100, s6;
	[tilespmem:s22+$0x80] =	vst v4;
	v4 =	vld.idx.msk [tilespmem:v5+s14+$0x0], $0xffff;
	s22 =	sor.u32 $0x180, s10;
	s10 =	simm.s32 $0x1;
	v5 =	vand.u32 $0xFFFFFC00, v10;
	v10 =	vshll.u32 v16, $0x3;
	v19 =	vor.u32 $0x200, v3  }
0xcd: {  	s1 =	sor.u32 $0x180, s6;
	s5 =	sor.u32 $0x180, s2;
	v14 =	vand.u32 $0x7F, v16;
	v21 =	vld.idx.msk [tilespmem:v21+s14+$0x0], $0xffff;
	[tilespmem:s22+$0x15000] =	vst v6;
	s10 =	simm.s32 @!p0 $0x0;
	v6 =	vand.u32 $0xFFFFFC00, v10;
	v10 =	vshll.u32 v13, $0x3  }
0xce: {  	s21 =	sor.u32 $0x180, s19;
	s9 =	sor.u32 $0x180, s7;
	s24 =	sshll.u32 s10, $0x6;
	v22 =	vor.u32 v12, v5;
	v5 =	vand.u32 $0x7F, v13;
	v13 =	vld.idx.msk [tilespmem:v23+s14+$0x0], $0xffff;
	v10 =	vand.u32 $0xFFFFFC00, v10;
	[tilespmem:s13+$0x80] =	vst v8  }
0xcf: {  	s7 =	sor.u32 s8, s11;
	s22 =	sadd.s32 $0x200, s24;
	s24 =	simm.s32 $0xC;
	v15 =	vor.u32 $0x200, v22;
	v8 =	vor.u32 v14, v6;
	v23 =	vor.u32 v5, v10;
	v14 =	vld.idx.msk [tilespmem:v24+s14+$0x0], $0xffff;
	[tilespmem:s17+$0x80] =	vst v7  }
0xd0: {  	[tilespmem:s9+$0x15000] =	vst v20;
	s13 =	simm.s32 $0x300;
	s6 =	sadd.s32 $0x30, s22;
	s16 =	sadd.s32 $0x10, s22;
	v10 =	vor.u32 $0x280, v22;
	v18 =	vor.u32 $0x200, v8;
	v5 =	vor.u32 $0x300, v22;
	v17 =	vld.idx.msk [tilespmem:v9+s14+$0x0], $0xffff  }
0xd1: {  	s17 =	sadd.s32 $0x20, s22;
	v12 =	vor.u32 $0x280, v8;
	s2 =	sor.u32 $0x100, s22;
	v7 =	vor.u32 $0x380, v22;
	v16 =	vor.u32 $0x200, v23;
	s23 =	sor.u32 $0x100, s6;
	[tilespmem:s4+$0x80] =	vst v4;
	v19 =	vld.idx.msk [tilespmem:v19+s14+$0x0], $0xffff  }
0xd2: {  	v6 =	vor.u32 $0x300, v8;
	s11 =	sor.u32 $0x180, s22;
	v22 =	vor.u32 $0x280, v3;
	s20 =	sor.u32 $0x100, s16;
	s19 =	sor.u32 $0x100, s17;
	v11 =	vor.u32 $0x280, v23;
	[tilespmem:s23+$0x15000] =	vst v21;
	v20 =	vld.idx.msk [tilespmem:v25+s14+$0x0], $0xffff  }
0xd3: {  	[tilespmem:s21+$0x15000] =	vst v27;
	s12 =	sor.u32 $0x180, s16;
	s8 =	sor.u32 $0x180, s17;
	v4 =	vor.u32 $0x300, v23;
	v9 =	vor.u32 $0x380, v8;
	s4 =	simm.s32 $0x100;
	v8 =	vor.u32 $0x380, v23;
	v21 =	vld.idx.msk [tilespmem:v26+s14+$0x0], $0xffff  }
.LBB2_5:
0xd4: {  	s16 =	sand.u32 $0x40, s4;
	s10 =	sand.u32 $0xF80, s4;
	s21 =	sand.u32 $0x3E00, s13;
	v15 =	vld.idx.msk [tilespmem:v15+s14+$0x0], $0xffff;
	[tilespmem:s5+$0x15000] =	vst v13  }
0xd5: {  	s24 =	sadd.s32 $0x4, s24;
	s5 =	sor.u32 $0x30, s16;
	s21 =	sadd.s32 $0x15000, s21;
	v13 =	vld.idx.msk [tilespmem:v18+s14+$0x0], $0xffff;
	[tilespmem:s20+$0x15000] =	vst v14  }
0xd6: {  	p1 =	slt.u32 s24, $0xFC;
	s20 =	sor.u32 s5, s10;
	s22 =	sor.u32 s0, s21;
	v14 =	vld.idx.msk [tilespmem:v16+s14+$0x0], $0xffff;
	[tilespmem:s19+$0x15000] =	vst v17  }
0xd7: {  	s23 =	sor.u32 $0x20, s16;
	s19 =	sor.u32 $0x10, s16;
	s0 =	sor.u32 $0x180, s6;
	v16 =	vld [tilespmem:s20+$0x0];
	[tilespmem:s22+$0x0] =	vst v19  }
0xd8: {  	s9 =	sshra.s32 s13, $0x2;
	s6 =	sor.u32 s19, s10;
	s20 =	sor.u32 s23, s10;
	v17 =	vld.idx.msk [tilespmem:v22+s14+$0x0], $0xffff;
	[tilespmem:s0+$0x15000] =	vst v21  }
0xd9: {  	s17 =	sor.u32 s30, s21;
	s10 =	sor.u32 s29, s21;
	v18 =	vld [tilespmem:s6+$0x0];
	s6 =	sor.u32 s31, s21;
	[tilespmem:s3+$0x15000] =	vst v20  }
0xda: {  	s29 =	smov.u32 s16;
	s30 =	smov.u32 s19;
	s0 =	smov.u32 s5;
	v19 =	vld [tilespmem:s20+$0x0];
	[tilespmem:s17+$0x0] =	vst v15;
	v15 =	vor.u32 $0x300, v3  }
0xdb: {  	s5 =	smov.u32 s1;
	s31 =	smov.u32 s23;
	s3 =	smov.u32 s2;
	v20 =	vld [tilespmem:s9+$0x0];
	[tilespmem:s6+$0x0] =	vst v13  }
0xdc: {  	s1 =	smov.u32 s11;
	v10 =	vld.idx.msk [tilespmem:v10+s14+$0x0], $0xffff;
	[tilespmem:s7+$0x0] =	vst v14  }
0xdd: {  	v13 =	vshll.u32 v16, $0x3;
	v12 =	vld.idx.msk [tilespmem:v12+s14+$0x0], $0xffff  }
0xde: {  	p0 =	por !p0, !p0;
	s2 =	simm.s32 $0x1;
	v16 =	vand.u32 $0x7F, v16;
	v13 =	vand.u32 $0xFFFFFC00, v13;
	v14 =	vshll.u32 v18, $0x3;
	[tilespmem:s22+$0x80] =	vst v17;
	v11 =	vld.idx.msk [tilespmem:v11+s14+$0x0], $0xffff  }
0xdf: {  	s2 =	simm.s32 @!p0 $0x0;
	v13 =	vor.u32 v16, v13;
	v14 =	vand.u32 $0xFFFFFC00, v14;
	v17 =	vshll.u32 v19, $0x3;
	v21 =	vld.idx.msk [tilespmem:v15+s14+$0x0], $0xffff  }
0xe0: {  	s2 =	sshll.u32 s2, $0x6;
	v22 =	vor.u32 $0x200, v13;
	v16 =	vand.u32 $0xFFFFFC00, v17;
	v15 =	vshll.u32 v20, $0x3;
	v23 =	vld.idx.msk [tilespmem:v1+s14+$0x0], $0xffff;
	v1 =	vmovc v7  }
0xe1: {  	v24 =	vor.u32 $0x380, v3;
	s9 =	sadd.s32 s2, s13;
	v3 =	vmovc v13;
	v7 =	vand.u32 $0x7F, v18;
	v17 =	vand.u32 $0x7F, v19;
	v25 =	vld.idx.msk [tilespmem:v2+s14+$0x0], $0xffff;
	v2 =	vmovc v9  }
0xe2: {  	s11 =	sadd.s32 $0x10, s9;
	v7 =	vor.u32 v7, v14;
	v9 =	vand.u32 $0x7F, v20;
	v14 =	vand.u32 $0xFFFFFC00, v15;
	[tilespmem:s17+$0x80] =	vst v10;
	v13 =	vld.idx.msk [tilespmem:v0+s14+$0x0], $0xffff;
	v0 =	vmovc v8  }
.Ltmp3:
0xe3: {  	s16 =	sadd.s32 $0x20, s9;
	v15 =	vor.u32 $0x200, v7;
	v8 =	vor.u32 v17, v16;
	v20 =	vor.u32 v9, v14;
	v14 =	vld.idx.msk [tilespmem:v5+s14+$0x0], $0xffff;
	[tilespmem:s6+$0x80] =	vst v12;
	s6 =	sadd.s32 $0x30, s9;
	(pc) =	sbr.rel @p1 .LBB2_5-.Ltmp3, $4  }
0xe4: {  	s20 =	sor.u32 $0x100, s11;
	s19 =	sor.u32 $0x100, s16;
	v10 =	vor.u32 $0x280, v7;
	v18 =	vor.u32 $0x200, v8;
	v16 =	vor.u32 $0x200, v20;
	v17 =	vld.idx.msk [tilespmem:v6+s14+$0x0], $0xffff;
	s17 =	sor.u32 $0x100, s6;
	[tilespmem:s7+$0x80] =	vst v11  }
0xe5: {  	s2 =	sor.u32 $0x100, s9;
	s21 =	sor.u32 $0x180, s11;
	s16 =	sor.u32 $0x180, s16;
	v5 =	vor.u32 $0x300, v7;
	v12 =	vor.u32 $0x280, v8;
	v11 =	vor.u32 $0x280, v20;
	v19 =	vld.idx.msk [tilespmem:v22+s14+$0x0], $0xffff;
	[tilespmem:s17+$0x15000] =	vst v21  }
0xe6: {  	s11 =	sor.u32 $0x180, s9;
	v7 =	vor.u32 $0x380, v7;
	v26 =	vor.u32 $0x300, v20;
	v6 =	vor.u32 $0x300, v8;
	s7 =	smov.u32 s10;
	v21 =	vld.idx.msk [tilespmem:v24+s14+$0x0], $0xffff;
	[tilespmem:s12+$0x15000] =	vst v23;
	s12 =	smov.u32 s21  }
0xe7: {  	s4 =	sadd.s32 $0x40, s4;
	s13 =	sadd.s32 $0x100, s13;
	v9 =	vor.u32 $0x380, v8;
	v8 =	vor.u32 $0x380, v20;
	v22 =	vor.u32 $0x280, v3;
	v20 =	vld.idx.msk [tilespmem:v4+s14+$0x0], $0xffff;
	[tilespmem:s8+$0x15000] =	vst v25;
	v4 =	vmovc v26;
	s8 =	smov.u32 s16  }
0xe8: {  	s4 =	sshra.s32 s13, $0x2  }
0xe9: {  	v23 =	vld [tilespmem:s4+$0x0];
	_ =	sdelay $0x4  }
0xea: {  	v24 =	vshll.u32 v23, $0x3  }
0xeb: {  	v23 =	vand.u32 $0x7F, v23;
	v24 =	vand.u32 $0xFFFFFC00, v24  }
0xec: {  	v23 =	vor.u32 v23, v24  }
0xed: {  	v24 =	vor.u32 $0x200, v23  }
0xee: {  	s23 =	sand.u32 $0x3E00, s13;
	[tilespmem:s5+$0x15000] =	vst v13;
	v13 =	vld.idx.msk [tilespmem:v15+s14+$0x0], $0xffff  }
0xef: {  	[tilespmem:s20+$0x15000] =	vst v14;
	s4 =	sadd.s32 $0x15000, s23  }
0xf0: {  	v14 =	vld.idx.msk [tilespmem:v18+s14+$0x0], $0xffff;
	[tilespmem:s19+$0x15000] =	vst v17;
	s0 =	sor.u32 s0, s4  }
0xf1: {  	v15 =	vld.idx.msk [tilespmem:v16+s14+$0x0], $0xffff;
	s24 =	sor.u32 $0x180, s6;
	[tilespmem:s0+$0x0] =	vst v19  }
0xf2: {  	s6 =	sor.u32 s30, s4;
	[tilespmem:s24+$0x15000] =	vst v21;
	v18 =	vld.idx.msk [tilespmem:v24+s14+$0x0], $0xffff  }
0xf3: {  	v16 =	vld.idx.msk [tilespmem:v22+s14+$0x0], $0xffff;
	[tilespmem:s6+$0x0] =	vst v13;
	v13 =	vor.u32 $0x280, v23  }
0xf4: {  	s9 =	sor.u32 s31, s4;
	[tilespmem:s3+$0x15000] =	vst v20;
	v10 =	vld.idx.msk [tilespmem:v10+s14+$0x0], $0xffff  }
0xf5: {  	v17 =	vor.u32 $0x300, v3;
	v1 =	vld.idx.msk [tilespmem:v1+s14+$0x0], $0xffff;
	[tilespmem:s9+$0x0] =	vst v14  }
0xf6: {  	s4 =	sor.u32 s29, s4;
	[tilespmem:s7+$0x0] =	vst v15;
	v12 =	vld.idx.msk [tilespmem:v12+s14+$0x0], $0xffff  }
0xf7: {  	v11 =	vld.idx.msk [tilespmem:v11+s14+$0x0], $0xffff;
	[tilespmem:s4+$0x0] =	vst v18  }
0xf8: {  	[tilespmem:s0+$0x80] =	vst v16;
	v13 =	vld.idx.msk [tilespmem:v13+s14+$0x0], $0xffff  }
0xf9: {  	p0 =	por !p0, !p0;
	v2 =	vld.idx.msk [tilespmem:v2+s14+$0x0], $0xffff;
	s0 =	simm.s32 $0x1;
	[tilespmem:s6+$0x80] =	vst v10;
	v10 =	vor.u32 $0x300, v23  }
0xfa: {  	[tilespmem:s12+$0x15000] =	vst v1;
	v14 =	vld.idx.msk [tilespmem:v17+s14+$0x0], $0xffff;
	s0 =	simm.s32 @!p0 $0x0  }
0xfb: {  	v3 =	vor.u32 $0x380, v3;
	s0 =	sshll.u32 s0, $0x6;
	[tilespmem:s9+$0x80] =	vst v12;
	v5 =	vld.idx.msk [tilespmem:v5+s14+$0x0], $0xffff  }
0xfc: {  	[tilespmem:s7+$0x80] =	vst v11;
	s0 =	sadd.s32 s0, s13;
	v6 =	vld.idx.msk [tilespmem:v6+s14+$0x0], $0xffff  }
0xfd: {  	v4 =	vld.idx.msk [tilespmem:v4+s14+$0x0], $0xffff;
	s10 =	sadd.s32 $0x30, s0;
	[tilespmem:s4+$0x80] =	vst v13  }
0xfe: {  	[tilespmem:s8+$0x15000] =	vst v2;
	s16 =	sadd.s32 $0x10, s0;
	s13 =	sor.u32 $0x100, s10;
	v1 =	vld.idx.msk [tilespmem:v10+s14+$0x0], $0xffff  }
0xff: {  	v0 =	vld.idx.msk [tilespmem:v0+s14+$0x0], $0xffff;
	s17 =	sadd.s32 $0x20, s0;
	s19 =	sor.u32 $0x100, s16;
	[tilespmem:s13+$0x15000] =	vst v14;
	v10 =	vor.u32 $0x380, v23  }
0x100: {  	s20 =	sor.u32 $0x100, s17;
	v2 =	vld.idx.msk [tilespmem:v3+s14+$0x0], $0xffff;
	[tilespmem:s19+$0x15000] =	vst v5  }
0x101: {  	[tilespmem:s20+$0x15000] =	vst v6;
	v3 =	vld.idx.msk [tilespmem:v7+s14+$0x0], $0xffff  }
0x102: {  	s21 =	sor.u32 $0x100, s0;
	[tilespmem:s2+$0x15000] =	vst v4;
	v4 =	vld.idx.msk [tilespmem:v9+s14+$0x0], $0xffff  }
0x103: {  	v5 =	vld.idx.msk [tilespmem:v8+s14+$0x0], $0xffff;
	[tilespmem:s21+$0x15000] =	vst v1  }
0x104: {  	[tilespmem:s1+$0x15000] =	vst v0;
	s22 =	sor.u32 $0x180, s10;
	v0 =	vld.idx.msk [tilespmem:v10+s14+$0x0], $0xffff  }
0x105: {  	s23 =	sor.u32 $0x180, s16;
	[tilespmem:s22+$0x15000] =	vst v2  }
0x106: {  	s24 =	sor.u32 $0x180, s17;
	[tilespmem:s23+$0x15000] =	vst v3  }
0x107: {  	[tilespmem:s24+$0x15000] =	vst v4  }
0x108: {  	s0 =	sor.u32 $0x180, s0;
	[tilespmem:s11+$0x15000] =	vst v5  }
0x109: {  	[tilespmem:s0+$0x15000] =	vst v0  }
0x10a: {  	s0 =	rddreg [dreg:$0x7]  }
0x10b: {  	s3 =	simm.s32 $0x15000;
	s21 =	simm.s32 $0x200;
	s0 =	sadd.s32 s28, s0  }
0x10c: {  	[hbm4b:s0+s21] =	stream.strided.scatter [tilespmem:s3], [sflag:$0x4], $0x4000, s18, s21, $0x38;
	[tilespmem:$0x19000] =	vst v63  }
0x10d: {  	p0 =	seq.s32 s25, $0x1F;
	s0 =	rddreg [dreg:$0x8]  }
0x10e: {  	s0 =	sadd.s32 @!p0 s26, s0  }
0x10f: {  	s0 =	sshll.u32 @!p0 s0, $0xC  }
0x110: {  	s1 =	rddreg [dreg:$0x0];
	s2 =	simm.s32 @!p0 $0x1000;
	s0 =	sand.u32 @!p0 $0x1FFFE000, s0  }
0x111: {  	s4 =	simm.s32 $0x2;
	s0 =	sadd.s32 @!p0 s1, s0;
	s1 =	simm.s32 @!p0 $0x0  }
0x112: {  	[tilespmem:s2], [sflag:$0x1] =	stream.linear.gather @!p0 [hbm4b:s0+s1], $0x8000, $0x38;
	[tilespmem:$0x19000] =	vst v63  }
0x113: {  	_ =	swait.ge [sflag:s4], $0x8000  }
0x114: {  	[sflag:s4] =	ssyncset.done $0x0  }
0x115: {  	s5 =	simm.s32 $0x0;
	s6 =	simm.s32 $0x3;
	[sflag:s4] =	ssyncadd.s32 $0xFFFF8000  }
0x116: {  	s7 =	sand.u32 $0x40, s5;
	_ =	swait.ge [sflag:s6], $0x4000  }
0x117: {  	s9 =	sand.u32 $0xF80, s5;
	s10 =	sor.u32 $0x30, s7;
	[sflag:s6] =	ssyncset.done $0x0  }
0x118: {  	s11 =	sor.u32 s10, s9;
	[sflag:s6] =	ssyncadd.s32 $0xFFFFC000  }
0x119: {  	s12 =	sor.u32 $0x10, s7;
	v0 =	vld [tilespmem:s11+$0x0]  }
0x11a: {  	s16 =	sor.u32 $0x20, s7;
	s13 =	sor.u32 s12, s9  }
0x11b: {  	s2 =	sor.u32 s16, s9;
	v1 =	vld [tilespmem:s13+$0x0]  }
0x11c: {  	v2 =	vld [tilespmem:s2+$0x0];
	_ =	sdelay $0x1  }
0x11d: {  	v3 =	vshll.u32 v0, $0x3  }
0x11e: {  	v0 =	vand.u32 $0x7F, v0;
	v3 =	vand.u32 $0xFFFFFC00, v3  }
0x11f: {  	v0 =	vor.u32 v0, v3;
	v3 =	vshll.u32 v1, $0x3  }
0x120: {  	v4 =	vshll.u32 v2, $0x3;
	v1 =	vand.u32 $0x7F, v1;
	v3 =	vand.u32 $0xFFFFFC00, v3  }
0x121: {  	v2 =	vand.u32 $0x7F, v2;
	v1 =	vor.u32 v1, v3;
	v3 =	vand.u32 $0xFFFFFC00, v4  }
0x122: {  	v2 =	vor.u32 v2, v3;
	_ =	sdelay $0x1  }
0x123: {  	s17 =	simm.s32 $0x0;
	s19 =	simm.s32 $0x40;
	v3 =	vld.idx.msk [tilespmem:v0+s15+$0x0], $0xffff  }
0x124: {  	v6 =	vld [tilespmem:s17+$0x0];
	s2 =	sand.u32 $0x40, s19;
	v4 =	vor.u32 $0x80, v0  }
0x125: {  	s1 =	sand.u32 $0x3E00, s5;
	s9 =	sand.u32 $0xF80, s19;
	s22 =	sor.u32 $0x30, s2;
	v5 =	vld.idx.msk [tilespmem:v1+s15+$0x0], $0xffff  }
0x126: {  	s20 =	sadd.s32 $0x11000, s1;
	s23 =	sor.u32 s22, s9;
	v7 =	vld.idx.msk [tilespmem:v2+s15+$0x0], $0xffff  }
0x127: {  	s3 =	sor.u32 s10, s20;
	v9 =	vld [tilespmem:s23+$0x0];
	v8 =	vor.u32 $0x80, v2  }
0x128: {  	s4 =	sor.u32 $0x10, s2;
	[tilespmem:s3+$0x0] =	vst v3;
	v3 =	vor.u32 $0x80, v1  }
0x129: {  	s6 =	sor.u32 s12, s20;
	s24 =	sor.u32 $0x20, s2;
	s10 =	sor.u32 s4, s9;
	v11 =	vshll.u32 v6, $0x3;
	v4 =	vld.idx.msk [tilespmem:v4+s15+$0x0], $0xffff  }
0x12a: {  	s8 =	sor.u32 s16, s20;
	s9 =	sor.u32 s24, s9;
	v10 =	vld [tilespmem:s10+$0x0];
	v6 =	vand.u32 $0x7F, v6;
	v11 =	vand.u32 $0xFFFFFC00, v11;
	v12 =	vor.u32 $0x100, v0;
	[tilespmem:s6+$0x0] =	vst v5  }
0x12b: {  	v13 =	vld [tilespmem:s9+$0x0];
	v5 =	vor.u32 v6, v11;
	[tilespmem:s8+$0x0] =	vst v7  }
0x12c: {  	s16 =	simm.s32 $0x80;
	v11 =	vshll.u32 v9, $0x3;
	v8 =	vld.idx.msk [tilespmem:v8+s15+$0x0], $0xffff  }
0x12d: {  	p1 =	por $0x0, $0x0;
	s29 =	sand.u32 $0x40, s16;
	v9 =	vand.u32 $0x7F, v9;
	v7 =	vor.u32 $0x100, v2;
	v11 =	vand.u32 $0xFFFFFC00, v11;
	v3 =	vld.idx.msk [tilespmem:v3+s15+$0x0], $0xffff  }
0x12e: {  	s0 =	sor.u32 $0x30, s29;
	s10 =	simm.s32 $0x100;
	v9 =	vor.u32 v9, v11;
	[tilespmem:s3+$0x80] =	vst v4;
	s3 =	simm.s32 $0x1  }
0x12f: {  	s12 =	sand.u32 $0x3E00, s10;
	s10 =	sand.u32 $0xF80, s16;
	v6 =	vor.u32 $0x100, v1;
	v12 =	vld.idx.msk [tilespmem:v12+s15+$0x0], $0xffff;
	s3 =	simm.s32 @!p1 $0x0  }
0x130: {  	s11 =	sor.u32 s7, s20;
	s20 =	sor.u32 s0, s10;
	v0 =	vor.u32 $0x180, v0;
	v4 =	vshll.u32 v10, $0x3;
	v14 =	vld.idx.msk [tilespmem:v5+s15+$0x0], $0xffff;
	s3 =	sshll.u32 s3, $0x6  }
0x131: {  	v16 =	vld [tilespmem:s20+$0x0];
	v11 =	vshll.u32 v13, $0x3;
	v10 =	vand.u32 $0x7F, v10;
	v4 =	vand.u32 $0xFFFFFC00, v4;
	s3 =	sadd.s32 $0x0, s3;
	[tilespmem:s8+$0x80] =	vst v8  }
0x132: {  	v11 =	vand.u32 $0xFFFFFC00, v11;
	v4 =	vor.u32 v10, v4;
	v10 =	vand.u32 $0x7F, v13;
	[tilespmem:s6+$0x80] =	vst v3;
	s6 =	sadd.s32 $0x30, s3;
	v7 =	vld.idx.msk [tilespmem:v7+s15+$0x0], $0xffff  }
0x133: {  	v8 =	vor.u32 $0x80, v5;
	v3 =	vor.u32 v10, v11;
	v10 =	vld.idx.msk [tilespmem:v9+s15+$0x0], $0xffff;
	s9 =	sor.u32 $0x100, s6  }
0x134: {  	s13 =	simm.s32 $0x40;
	v6 =	vld.idx.msk [tilespmem:v6+s15+$0x0], $0xffff;
	[tilespmem:s9+$0x11000] =	vst v12  }
0x135: {  	[tilespmem:s11+$0x0] =	vst v14;
	v14 =	vld [tilespmem:s13+$0x0]  }
0x136: {  	v11 =	vld.idx.msk [tilespmem:v0+s15+$0x0], $0xffff;
	v0 =	vor.u32 $0x80, v9  }
0x137: {  	s7 =	sadd.s32 $0x11000, s12;
	v1 =	vor.u32 $0x180, v1;
	v12 =	vld.idx.msk [tilespmem:v4+s15+$0x0], $0xffff  }
0x138: {  	s1 =	sor.u32 $0x10, s29;
	s17 =	sor.u32 s22, s7;
	s19 =	sadd.s32 $0x10, s3;
	v8 =	vld.idx.msk [tilespmem:v8+s15+$0x0], $0xffff  }
0x139: {  	s16 =	sor.u32 s1, s10;
	s22 =	sor.u32 $0x100, s19;
	v13 =	vld.idx.msk [tilespmem:v3+s15+$0x0], $0xffff;
	[tilespmem:s17+$0x0] =	vst v10;
	v10 =	vor.u32 $0x80, v4  }
0x13a: {  	v15 =	vor.u32 $0x80, v3;
	[tilespmem:s22+$0x11000] =	vst v6;
	v6 =	vld [tilespmem:s16+$0x0]  }
0x13b: {  	s30 =	sor.u32 $0x20, s29;
	v17 =	vor.u32 $0x100, v5;
	v0 =	vld.idx.msk [tilespmem:v0+s15+$0x0], $0xffff  }
0x13c: {  	s10 =	sor.u32 s30, s10;
	s4 =	sor.u32 s4, s7;
	v19 =	vor.u32 $0x100, v9;
	v18 =	vld.idx.msk [tilespmem:v1+s15+$0x0], $0xffff;
	v1 =	vshll.u32 v14, $0x3  }
0x13d: {  	s5 =	sor.u32 s24, s7;
	v20 =	vld [tilespmem:s10+$0x0];
	v2 =	vor.u32 $0x180, v2;
	v14 =	vand.u32 $0x7F, v14;
	v1 =	vand.u32 $0xFFFFFC00, v1;
	[tilespmem:s4+$0x0] =	vst v12  }
0x13e: {  	v12 =	vor.u32 v14, v1;
	v1 =	vld.idx.msk [tilespmem:v10+s15+$0x0], $0xffff;
	[tilespmem:s5+$0x0] =	vst v13  }
0x13f: {  	s23 =	sadd.s32 $0x20, s3;
	v14 =	vor.u32 $0x100, v3;
	[tilespmem:s11+$0x80] =	vst v8;
	v8 =	vshll.u32 v16, $0x3;
	v10 =	vor.u32 $0x100, v4;
	v15 =	vld.idx.msk [tilespmem:v15+s15+$0x0], $0xffff  }
0x140: {  	p1 =	por !p1, !p1;
	s8 =	simm.s32 $0x1;
	s24 =	sor.u32 $0x100, s23;
	v61 =	vld.idx.msk [tilespmem:v17+s15+$0x0], $0xffff;
	v13 =	vand.u32 $0x7F, v16;
	v8 =	vand.u32 $0xFFFFFC00, v8;
	[tilespmem:s17+$0x80] =	vst v0;
	v0 =	vshll.u32 v6, $0x3  }
0x141: {  	s8 =	simm.s32 @!p1 $0x0;
	s6 =	sor.u32 $0x180, s6;
	[tilespmem:s24+$0x11000] =	vst v7;
	v7 =	vld.idx.msk [tilespmem:v19+s15+$0x0], $0xffff;
	v16 =	vand.u32 $0xFFFFFC00, v0;
	v0 =	vor.u32 v13, v8  }
0x142: {  	s12 =	sshll.u32 s8, $0x6;
	[tilespmem:s6+$0x11000] =	vst v11;
	v8 =	vshll.u32 v20, $0x3;
	v19 =	vld.idx.msk [tilespmem:v2+s15+$0x0], $0xffff;
	v2 =	vand.u32 $0x7F, v6;
	v6 =	vor.u32 $0x180, v9  }
0x143: {  	s31 =	simm.s32 $0x80;
	s8 =	sor.u32 $0x180, s3;
	s16 =	sadd.s32 $0x100, s12;
	v62 =	vld.idx.msk [tilespmem:v12+s15+$0x0], $0xffff;
	v8 =	vand.u32 $0xFFFFFC00, v8;
	v63 =	vor.u32 v2, v16;
	v2 =	vand.u32 $0x7F, v20;
	[tilespmem:s4+$0x80] =	vst v1  }
0x144: {  	s13 =	sor.u32 $0x100, s3;
	s6 =	sadd.s32 $0x30, s16;
	s11 =	sor.u32 $0x180, s19;
	v20 =	vor.u32 v2, v8;
	v13 =	vld.idx.msk [tilespmem:v10+s15+$0x0], $0xffff;
	[tilespmem:s5+$0x80] =	vst v15  }
0x145: {  	s24 =	simm.s32 $0x8;
	s12 =	sor.u32 s2, s7;
	s22 =	sor.u32 $0x100, s6;
	v3 =	vor.u32 $0x180, v3;
	[tilespmem:s11+$0x11000] =	vst v18;
	v14 =	vld.idx.msk [tilespmem:v14+s15+$0x0], $0xffff  }
0x146: {  	s20 =	sadd.s32 $0x10, s16;
	s7 =	sor.u32 $0x100, s16;
	s2 =	sor.u32 $0x180, s16;
	v4 =	vor.u32 $0x180, v4;
	v9 =	vor.u32 $0x80, v12;
	v1 =	vor.u32 $0x180, v5;
	v17 =	vld.idx.msk [tilespmem:v0+s15+$0x0], $0xffff;
	[tilespmem:s22+$0x11000] =	vst v7  }
0x147: {  	s10 =	sor.u32 $0x100, s20;
	s17 =	sor.u32 $0x180, s23;
	s23 =	sadd.s32 $0x20, s16;
	v5 =	vor.u32 $0x100, v12;
	[tilespmem:s13+$0x11000] =	vst v61;
	v2 =	vor.u32 $0x180, v12;
	v10 =	vor.u32 $0x80, v63;
	v16 =	vld.idx.msk [tilespmem:v6+s15+$0x0], $0xffff  }
0x148: {  	s19 =	sor.u32 $0x100, s23;
	s3 =	sor.u32 $0x180, s23;
	s13 =	simm.s32 $0x200;
	v11 =	vor.u32 $0x180, v63;
	v12 =	vor.u32 $0x80, v20;
	[tilespmem:s17+$0x11000] =	vst v19;
	v19 =	vor.u32 $0x80, v0;
	v15 =	vld.idx.msk [tilespmem:v63+s15+$0x0], $0xffff  }
0x149: {  	s4 =	simm.s32 $0xC0;
	s5 =	sor.u32 $0x180, s20;
	s20 =	sand.u32 $0x3E00, s13;
	v8 =	vor.u32 $0x180, v20;
	v7 =	vor.u32 $0x100, v20;
	[tilespmem:s12+$0x0] =	vst v62;
	v6 =	vor.u32 $0x100, v63;
	v18 =	vld.idx.msk [tilespmem:v20+s15+$0x0], $0xffff  }
.LBB2_7:
0x14a: {  	s9 =	sand.u32 $0xF80, s4;
	v20 =	vld [tilespmem:s31+$0x0];
	s16 =	sadd.s32 $0x11000, s20;
	[tilespmem:s10+$0x11000] =	vst v13;
	s11 =	smov.u32 s8  }
0x14b: {  	s8 =	sand.u32 $0x40, s4;
	s24 =	sadd.s32 $0x4, s24;
	s10 =	sor.u32 s0, s16;
	v13 =	vld.idx.msk [tilespmem:v9+s15+$0x0], $0xffff;
	[tilespmem:s19+$0x11000] =	vst v14  }
0x14c: {  	s6 =	sor.u32 $0x180, s6;
	s0 =	sor.u32 $0x30, s8;
	p2 =	slt.u32 s24, $0xFC;
	[tilespmem:s10+$0x0] =	vst v17;
	v14 =	vld.idx.msk [tilespmem:v4+s15+$0x0], $0xffff;
	v4 =	vmov v11  }
0x14d: {  	s17 =	sor.u32 $0x10, s8;
	s19 =	sor.u32 $0x20, s8;
	s20 =	sor.u32 s0, s9;
	v11 =	vld.idx.msk [tilespmem:v19+s15+$0x0], $0xffff;
	[tilespmem:s6+$0x11000] =	vst v16  }
0x14e: {  	s6 =	sor.u32 s17, s9;
	s9 =	sor.u32 s19, s9;
	v16 =	vld [tilespmem:s20+$0x0];
	s20 =	sor.u32 s29, s16  }
0x14f: {  	s29 =	smov.u32 s8;
	v17 =	vld [tilespmem:s6+$0x0];
	v9 =	vand.u32 $0x7F, v20;
	v19 =	vshll.u32 v20, $0x3;
	s6 =	sor.u32 s1, s16;
	s16 =	sor.u32 s30, s16;
	v20 =	vor.u32 $0x100, v0  }
0x150: {  	s8 =	smov.u32 s2;
	s1 =	smov.u32 s17;
	s30 =	smov.u32 s19;
	v21 =	vld [tilespmem:s9+$0x0];
	v19 =	vand.u32 $0xFFFFFC00, v19;
	[tilespmem:s6+$0x0] =	vst v15  }
0x151: {  	v15 =	vor.u32 v9, v19;
	v10 =	vld.idx.msk [tilespmem:v10+s15+$0x0], $0xffff;
	[tilespmem:s16+$0x0] =	vst v18  }
0x152: {  	v9 =	vor.u32 $0x80, v15;
	v18 =	vor.u32 $0x100, v15;
	v19 =	vor.u32 $0x180, v15;
	v12 =	vld.idx.msk [tilespmem:v12+s15+$0x0], $0xffff;
	[tilespmem:s12+$0x80] =	vst v13;
	s12 =	smov.u32 s20  }
0x153: {  	p1 =	por !p1, !p1;
	s2 =	simm.s32 $0x1;
	v13 =	vshll.u32 v16, $0x3;
	[tilespmem:s10+$0x80] =	vst v11;
	v22 =	vld.idx.msk [tilespmem:v5+s15+$0x0], $0xffff;
	v5 =	vmov v18  }
0x154: {  	s2 =	simm.s32 @!p1 $0x0;
	v16 =	vand.u32 $0x7F, v16;
	v11 =	vshll.u32 v17, $0x3;
	v13 =	vand.u32 $0xFFFFFC00, v13;
	v18 =	vld.idx.msk [tilespmem:v20+s15+$0x0], $0xffff;
	[tilespmem:s5+$0x11000] =	vst v14  }
0x155: {  	s2 =	sshll.u32 s2, $0x6;
	v11 =	vand.u32 $0xFFFFFC00, v11;
	v14 =	vshll.u32 v21, $0x3;
	v16 =	vor.u32 v16, v13;
	v20 =	vld.idx.msk [tilespmem:v3+s15+$0x0], $0xffff;
	v3 =	vmovc v8  }
0x156: {  	s2 =	sadd.s32 s2, s13;
	v8 =	vand.u32 $0x7F, v17;
	v13 =	vand.u32 $0xFFFFFC00, v14;
	v23 =	vld.idx.msk [tilespmem:v15+s15+$0x0], $0xffff;
	v15 =	vor.u32 $0x180, v0;
	v0 =	vmovc v16  }
0x157: {  	s9 =	sadd.s32 $0x20, s2;
	v24 =	vor.u32 v8, v11;
	v8 =	vand.u32 $0x7F, v21;
	[tilespmem:s6+$0x80] =	vst v10;
	v21 =	vld.idx.msk [tilespmem:v1+s15+$0x0], $0xffff;
	v1 =	vmovc v2;
	v2 =	vmov v19  }
0x158: {  	s19 =	sor.u32 $0x100, s9;
	s5 =	sadd.s32 $0x10, s2;
	v10 =	vor.u32 $0x80, v24;
	v25 =	vor.u32 v8, v13;
	s6 =	sadd.s32 $0x30, s2;
	v13 =	vld.idx.msk [tilespmem:v6+s15+$0x0], $0xffff;
	v6 =	vor.u32 $0x100, v24;
	[tilespmem:s16+$0x80] =	vst v12  }
.Ltmp4:
0x159: {  	s10 =	sor.u32 $0x100, s5;
	v11 =	vor.u32 $0x180, v24;
	v12 =	vor.u32 $0x80, v25;
	s16 =	sor.u32 $0x100, s6;
	v14 =	vld.idx.msk [tilespmem:v7+s15+$0x0], $0xffff;
	v7 =	vor.u32 $0x100, v25;
	[tilespmem:s7+$0x11000] =	vst v22;
	(pc) =	sbr.rel @p2 .LBB2_7-.Ltmp4, $4  }
0x15a: {  	s9 =	sor.u32 $0x180, s9;
	s5 =	sor.u32 $0x180, s5;
	v8 =	vor.u32 $0x180, v25;
	s7 =	sor.u32 $0x100, s2;
	v17 =	vld.idx.msk [tilespmem:v16+s15+$0x0], $0xffff;
	[tilespmem:s16+$0x11000] =	vst v18  }
0x15b: {  	s2 =	sor.u32 $0x180, s2;
	v16 =	vld.idx.msk [tilespmem:v15+s15+$0x0], $0xffff;
	[tilespmem:s3+$0x11000] =	vst v20;
	s3 =	smov.u32 s9  }
0x15c: {  	s13 =	sadd.s32 $0x100, s13;
	v19 =	vor.u32 $0x80, v0;
	v15 =	vld.idx.msk [tilespmem:v24+s15+$0x0], $0xffff;
	[tilespmem:s12+$0x0] =	vst v23  }
0x15d: {  	s4 =	sadd.s32 $0x40, s4;
	s31 =	sshra.s32 s13, $0x2;
	s20 =	sand.u32 $0x3E00, s13;
	v18 =	vld.idx.msk [tilespmem:v25+s15+$0x0], $0xffff;
	[tilespmem:s11+$0x11000] =	vst v21  }
0x15e: {  	v20 =	vld [tilespmem:s31+$0x0];
	_ =	sdelay $0x4  }
0x15f: {  	v21 =	vshll.u32 v20, $0x3  }
0x160: {  	v20 =	vand.u32 $0x7F, v20;
	v21 =	vand.u32 $0xFFFFFC00, v21  }
0x161: {  	v20 =	vor.u32 v20, v21;
	_ =	sdelay $0x3  }
0x162: {  	s4 =	sadd.s32 $0x11000, s20;
	[tilespmem:s10+$0x11000] =	vst v13  }
0x163: {  	[tilespmem:s19+$0x11000] =	vst v14;
	s0 =	sor.u32 s0, s4;
	v13 =	vld.idx.msk [tilespmem:v20+s15+$0x0], $0xffff  }
0x164: {  	v9 =	vld.idx.msk [tilespmem:v9+s15+$0x0], $0xffff;
	s1 =	sor.u32 s1, s4;
	[tilespmem:s0+$0x0] =	vst v17;
	v14 =	vor.u32 $0x80, v20  }
0x165: {  	s9 =	sor.u32 s30, s4;
	v17 =	vld.idx.msk [tilespmem:v19+s15+$0x0], $0xffff;
	[tilespmem:s1+$0x0] =	vst v15  }
0x166: {  	s6 =	sor.u32 $0x180, s6;
	v10 =	vld.idx.msk [tilespmem:v10+s15+$0x0], $0xffff;
	[tilespmem:s9+$0x0] =	vst v18  }
0x167: {  	s4 =	sor.u32 s29, s4;
	[tilespmem:s6+$0x11000] =	vst v16;
	v12 =	vld.idx.msk [tilespmem:v12+s15+$0x0], $0xffff  }
0x168: {  	v4 =	vld.idx.msk [tilespmem:v4+s15+$0x0], $0xffff;
	[tilespmem:s4+$0x0] =	vst v13  }
0x169: {  	v15 =	vor.u32 $0x100, v0;
	[tilespmem:s12+$0x80] =	vst v9;
	v9 =	vld.idx.msk [tilespmem:v14+s15+$0x0], $0xffff  }
0x16a: {  	v5 =	vld.idx.msk [tilespmem:v5+s15+$0x0], $0xffff;
	[tilespmem:s0+$0x80] =	vst v17;
	v13 =	vor.u32 $0x100, v20  }
0x16b: {  	p1 =	por !p1, !p1;
	v3 =	vld.idx.msk [tilespmem:v3+s15+$0x0], $0xffff;
	s0 =	simm.s32 $0x1;
	[tilespmem:s1+$0x80] =	vst v10  }
0x16c: {  	s0 =	simm.s32 @!p1 $0x0;
	v6 =	vld.idx.msk [tilespmem:v6+s15+$0x0], $0xffff;
	[tilespmem:s9+$0x80] =	vst v12  }
0x16d: {  	[tilespmem:s5+$0x11000] =	vst v4;
	s0 =	sshll.u32 s0, $0x6;
	v4 =	vld.idx.msk [tilespmem:v7+s15+$0x0], $0xffff  }
0x16e: {  	s0 =	sadd.s32 s0, s13;
	v14 =	vld.idx.msk [tilespmem:v15+s15+$0x0], $0xffff;
	[tilespmem:s4+$0x80] =	vst v9  }
0x16f: {  	v0 =	vor.u32 $0x180, v0;
	[tilespmem:s7+$0x11000] =	vst v5;
	s16 =	sadd.s32 $0x10, s0;
	v5 =	vld.idx.msk [tilespmem:v13+s15+$0x0], $0xffff  }
0x170: {  	v1 =	vld.idx.msk [tilespmem:v1+s15+$0x0], $0xffff;
	[tilespmem:s3+$0x11000] =	vst v3;
	v7 =	vor.u32 $0x180, v20;
	s19 =	sadd.s32 $0x20, s0;
	s20 =	sor.u32 $0x100, s16  }
0x171: {  	s13 =	sadd.s32 $0x30, s0;
	v2 =	vld.idx.msk [tilespmem:v2+s15+$0x0], $0xffff;
	s22 =	sor.u32 $0x100, s19;
	[tilespmem:s20+$0x11000] =	vst v6  }
0x172: {  	s17 =	sor.u32 $0x100, s13;
	[tilespmem:s22+$0x11000] =	vst v4;
	v4 =	vld.idx.msk [tilespmem:v11+s15+$0x0], $0xffff  }
0x173: {  	s23 =	sor.u32 $0x100, s0;
	v3 =	vld.idx.msk [tilespmem:v8+s15+$0x0], $0xffff;
	[tilespmem:s17+$0x11000] =	vst v14  }
0x174: {  	v0 =	vld.idx.msk [tilespmem:v0+s15+$0x0], $0xffff;
	[tilespmem:s23+$0x11000] =	vst v5  }
0x175: {  	[tilespmem:s8+$0x11000] =	vst v1;
	v1 =	vld.idx.msk [tilespmem:v7+s15+$0x0], $0xffff  }
0x176: {  	s24 =	sor.u32 $0x180, s16;
	[tilespmem:s2+$0x11000] =	vst v2  }
0x177: {  	[tilespmem:s24+$0x11000] =	vst v4;
	s4 =	sor.u32 $0x180, s19  }
0x178: {  	s28 =	sor.u32 $0x1000, s28;
	s1 =	sor.u32 $0x180, s13;
	[tilespmem:s4+$0x11000] =	vst v3  }
0x179: {  	s6 =	simm.s32 $0x11000;
	s5 =	rddreg [dreg:$0x2];
	s0 =	sor.u32 $0x180, s0;
	[tilespmem:s1+$0x11000] =	vst v0  }
0x17a: {  	s8 =	simm.s32 $0x4;
	s7 =	simm.s32 $0x0;
	[tilespmem:s0+$0x11000] =	vst v1;
	s0 =	sadd.s32 s5, s28  }
0x17b: {  	[hbm4b:s0+s21] =	stream.strided.scatter [tilespmem:s6], [sflag:$0x3], $0x4000, s18, s21, $0x38;
	[tilespmem:$0x19000] =	vst v63  }
0x17c: {  	s0 =	sand.u32 $0x40, s7;
	_ =	swait.ge [sflag:s8], $0x4000  }
0x17d: {  	s9 =	sand.u32 $0xF80, s7;
	s10 =	sor.u32 $0x30, s0;
	[sflag:s8] =	ssyncset.done $0x0  }
0x17e: {  	s13 =	sor.u32 $0x10, s0;
	s12 =	sor.u32 s10, s9;
	[sflag:s8] =	ssyncadd.s32 $0xFFFFC000  }
0x17f: {  	s17 =	sor.u32 $0x20, s0;
	s16 =	sor.u32 s13, s9;
	v0 =	vld [tilespmem:s12+$0x0]  }
0x180: {  	s1 =	sor.u32 s17, s9;
	v1 =	vld [tilespmem:s16+$0x0]  }
0x181: {  	v2 =	vld [tilespmem:s1+$0x0];
	_ =	sdelay $0x3  }
0x182: {  	s19 =	simm.s32 $0x40;
	v3 =	vshll.u32 v0, $0x3;
	v4 =	vshll.u32 v1, $0x3;
	v0 =	vand.u32 $0x7F, v0  }
0x183: {  	s1 =	sand.u32 $0x40, s19;
	v5 =	vshll.u32 v2, $0x3;
	v2 =	vand.u32 $0x7F, v2;
	v3 =	vand.u32 $0xFFFFFC00, v3  }
0x184: {  	s20 =	sand.u32 $0xF80, s19;
	s21 =	sor.u32 $0x30, s1;
	v4 =	vand.u32 $0xFFFFFC00, v4;
	v5 =	vand.u32 $0xFFFFFC00, v5;
	v3 =	vor.u32 v0, v3  }
0x185: {  	s6 =	sor.u32 $0x10, s1;
	s24 =	sor.u32 s21, s20;
	v0 =	vand.u32 $0x7F, v1;
	v5 =	vor.u32 v2, v5;
	v1 =	vor.u32 $0x200, v3  }
0x186: {  	s22 =	sor.u32 $0x20, s1;
	s23 =	sor.u32 s6, s20;
	v6 =	vld [tilespmem:s24+$0x0];
	v4 =	vor.u32 v0, v4;
	v2 =	vor.u32 $0x200, v5  }
0x187: {  	s8 =	sor.u32 s22, s20;
	v8 =	vld [tilespmem:s23+$0x0];
	v0 =	vor.u32 $0x200, v4  }
0x188: {  	v10 =	vld [tilespmem:s8+$0x0];
	s24 =	simm.s32 $0x0  }
0x189: {  	v12 =	vld [tilespmem:s24+$0x0]  }
0x18a: {  	v1 =	vld.idx.msk [tilespmem:v1+s15+$0x0], $0xffff  }
0x18b: {  	v2 =	vld.idx.msk [tilespmem:v2+s15+$0x0], $0xffff  }
0x18c: {  	s3 =	sand.u32 $0x3E00, s7;
	v7 =	vor.u32 $0x280, v3;
	v0 =	vld.idx.msk [tilespmem:v0+s15+$0x0], $0xffff  }
0x18d: {  	s11 =	sadd.s32 $0x15000, s3;
	v9 =	vor.u32 $0x280, v4  }
0x18e: {  	s4 =	sor.u32 s10, s11;
	v11 =	vor.u32 $0x280, v5  }
0x18f: {  	s8 =	sor.u32 s17, s11;
	[tilespmem:s4+$0x0] =	vst v1  }
0x190: {  	s5 =	sor.u32 s13, s11;
	v14 =	vor.u32 $0x300, v5;
	v15 =	vor.u32 $0x300, v3;
	v16 =	vshll.u32 v10, $0x3;
	[tilespmem:s8+$0x0] =	vst v2  }
0x191: {  	v13 =	vor.u32 $0x300, v4;
	v1 =	vshll.u32 v8, $0x3;
	v2 =	vshll.u32 v12, $0x3;
	v7 =	vld.idx.msk [tilespmem:v7+s15+$0x0], $0xffff;
	[tilespmem:s5+$0x0] =	vst v0  }
0x192: {  	v8 =	vand.u32 $0x7F, v8;
	v0 =	vshll.u32 v6, $0x3;
	v6 =	vand.u32 $0x7F, v6;
	v9 =	vld.idx.msk [tilespmem:v9+s15+$0x0], $0xffff  }
0x193: {  	v1 =	vand.u32 $0xFFFFFC00, v1;
	v11 =	vld.idx.msk [tilespmem:v11+s15+$0x0], $0xffff;
	v2 =	vand.u32 $0xFFFFFC00, v2;
	v0 =	vand.u32 $0xFFFFFC00, v0  }
0x194: {  	v1 =	vor.u32 v8, v1;
	v8 =	vand.u32 $0x7F, v12;
	v6 =	vor.u32 v6, v0  }
0x195: {  	v0 =	vand.u32 $0xFFFFFC00, v16;
	v2 =	vor.u32 v8, v2;
	v16 =	vor.u32 $0x200, v6  }
0x196: {  	v10 =	vand.u32 $0x7F, v10;
	v12 =	vor.u32 $0x200, v2;
	[tilespmem:s4+$0x80] =	vst v7  }
0x197: {  	v0 =	vor.u32 v10, v0;
	v10 =	vld.idx.msk [tilespmem:v15+s15+$0x0], $0xffff;
	[tilespmem:s5+$0x80] =	vst v9  }
0x198: {  	s9 =	simm.s32 $0x80;
	v8 =	vor.u32 $0x200, v0;
	[tilespmem:s8+$0x80] =	vst v11;
	v9 =	vld.idx.msk [tilespmem:v13+s15+$0x0], $0xffff  }
0x199: {  	p1 =	por $0x0, $0x0;
	v7 =	vor.u32 $0x200, v1;
	s4 =	simm.s32 $0x1;
	s8 =	sand.u32 $0x40, s9;
	v13 =	vld.idx.msk [tilespmem:v14+s15+$0x0], $0xffff  }
0x19a: {  	s13 =	sand.u32 $0xF80, s9;
	s4 =	simm.s32 @!p1 $0x0;
	s7 =	sor.u32 $0x30, s8;
	v11 =	vld.idx.msk [tilespmem:v16+s15+$0x0], $0xffff  }
0x19b: {  	s12 =	simm.s32 $0x100;
	s4 =	sshll.u32 s4, $0x6;
	s19 =	sor.u32 s7, s13;
	v12 =	vld.idx.msk [tilespmem:v12+s15+$0x0], $0xffff  }
0x19c: {  	s5 =	sand.u32 $0x3E00, s12;
	v14 =	vor.u32 $0x280, v6;
	s2 =	sadd.s32 $0x0, s4;
	v15 =	vld [tilespmem:s19+$0x0]  }
0x19d: {  	v3 =	vor.u32 $0x380, v3;
	s3 =	sadd.s32 $0x15000, s5;
	s5 =	sor.u32 $0x10, s8;
	v8 =	vld.idx.msk [tilespmem:v8+s15+$0x0], $0xffff;
	s12 =	sadd.s32 $0x30, s2  }
0x19e: {  	s4 =	sor.u32 $0x20, s8;
	s20 =	sor.u32 s5, s13;
	v7 =	vld.idx.msk [tilespmem:v7+s15+$0x0], $0xffff;
	s17 =	sor.u32 $0x100, s12  }
0x19f: {  	s16 =	sor.u32 s21, s3;
	v16 =	vor.u32 $0x280, v0;
	s9 =	sor.u32 s4, s13;
	v17 =	vld [tilespmem:s20+$0x0];
	[tilespmem:s17+$0x15000] =	vst v10  }
0x1a0: {  	v10 =	vld [tilespmem:s9+$0x0];
	[tilespmem:s16+$0x0] =	vst v11;
	v11 =	vor.u32 $0x280, v1  }
0x1a1: {  	v18 =	vor.u32 $0x280, v2;
	s22 =	sor.u32 s22, s3;
	v14 =	vld.idx.msk [tilespmem:v14+s15+$0x0], $0xffff  }
0x1a2: {  	v19 =	vor.u32 $0x300, v6;
	s21 =	simm.s32 $0x40;
	s10 =	sor.u32 s6, s3;
	v3 =	vld.idx.msk [tilespmem:v3+s15+$0x0], $0xffff;
	[tilespmem:s22+$0x0] =	vst v8  }
0x1a3: {  	s0 =	sor.u32 s0, s11;
	v4 =	vor.u32 $0x380, v4;
	[tilespmem:s10+$0x0] =	vst v7;
	v7 =	vld [tilespmem:s21+$0x0]  }
0x1a4: {  	v5 =	vor.u32 $0x380, v5;
	v20 =	vor.u32 $0x300, v1;
	[tilespmem:s0+$0x0] =	vst v12;
	v12 =	vld.idx.msk [tilespmem:v16+s15+$0x0], $0xffff  }
0x1a5: {  	v22 =	vor.u32 $0x300, v2;
	v21 =	vor.u32 $0x300, v0;
	p1 =	por !p1, !p1;
	s13 =	sadd.s32 $0x10, s2;
	v8 =	vld.idx.msk [tilespmem:v11+s15+$0x0], $0xffff;
	v11 =	vshll.u32 v15, $0x3  }
0x1a6: {  	s19 =	sadd.s32 $0x20, s2;
	s23 =	sor.u32 $0x100, s13;
	s9 =	simm.s32 $0x1;
	v16 =	vshll.u32 v17, $0x3;
	v15 =	vand.u32 $0x7F, v15;
	v11 =	vand.u32 $0xFFFFFC00, v11;
	[tilespmem:s16+$0x80] =	vst v14;
	v14 =	vld.idx.msk [tilespmem:v18+s15+$0x0], $0xffff  }
0x1a7: {  	s24 =	sor.u32 $0x100, s19;
	[tilespmem:s23+$0x15000] =	vst v9;
	s9 =	simm.s32 @!p1 $0x0;
	v17 =	vand.u32 $0x7F, v17;
	v18 =	vshll.u32 v10, $0x3;
	v11 =	vor.u32 v15, v11;
	v15 =	vld.idx.msk [tilespmem:v19+s15+$0x0], $0xffff  }
0x1a8: {  	[tilespmem:s24+$0x15000] =	vst v13;
	v4 =	vld.idx.msk [tilespmem:v4+s15+$0x0], $0xffff;
	v9 =	vand.u32 $0xFFFFFC00, v16;
	s16 =	sshll.u32 s9, $0x6;
	v16 =	vand.u32 $0xFFFFFC00, v18;
	v18 =	vor.u32 $0x200, v11  }
0x1a9: {  	v6 =	vor.u32 $0x380, v6;
	v5 =	vld.idx.msk [tilespmem:v5+s15+$0x0], $0xffff;
	v9 =	vor.u32 v17, v9;
	s6 =	sadd.s32 $0x100, s16;
	[tilespmem:s22+$0x80] =	vst v12  }
0x1aa: {  	v10 =	vand.u32 $0x7F, v10;
	v13 =	vshll.u32 v7, $0x3;
	v7 =	vand.u32 $0x7F, v7;
	v12 =	vld.idx.msk [tilespmem:v21+s15+$0x0], $0xffff;
	[tilespmem:s10+$0x80] =	vst v8;
	s10 =	sadd.s32 $0x30, s6  }
0x1ab: {  	s20 =	simm.s32 $0xC0;
	v10 =	vor.u32 v10, v16;
	v8 =	vand.u32 $0xFFFFFC00, v13;
	v13 =	vor.u32 $0x200, v9;
	v16 =	vld.idx.msk [tilespmem:v20+s15+$0x0], $0xffff;
	s17 =	sor.u32 $0x100, s10;
	[tilespmem:s0+$0x80] =	vst v14  }
0x1ac: {  	s29 =	sand.u32 $0x40, s20;
	v7 =	vor.u32 v7, v8;
	v8 =	vor.u32 $0x200, v10;
	[tilespmem:s17+$0x15000] =	vst v15;
	v15 =	vld.idx.msk [tilespmem:v22+s15+$0x0], $0xffff  }
0x1ad: {  	s21 =	simm.s32 $0x200;
	s22 =	sand.u32 $0xF80, s20;
	s0 =	sor.u32 $0x30, s29;
	v18 =	vld.idx.msk [tilespmem:v18+s15+$0x0], $0xffff  }
0x1ae: {  	s9 =	sand.u32 $0x3E00, s21;
	v17 =	vor.u32 $0x200, v7;
	s23 =	sor.u32 s0, s22;
	v6 =	vld.idx.msk [tilespmem:v6+s15+$0x0], $0xffff  }
0x1af: {  	s12 =	sor.u32 $0x180, s12;
	s11 =	sadd.s32 $0x15000, s9;
	v14 =	vor.u32 $0x280, v11;
	v19 =	vld [tilespmem:s23+$0x0]  }
0x1b0: {  	s31 =	sor.u32 $0x20, s29;
	[tilespmem:s12+$0x15000] =	vst v3;
	s12 =	sor.u32 s7, s11;
	s7 =	sadd.s32 $0x10, s6;
	v13 =	vld.idx.msk [tilespmem:v13+s15+$0x0], $0xffff  }
0x1b1: {  	s16 =	sor.u32 s31, s22;
	s20 =	sor.u32 $0x100, s7;
	v20 =	vor.u32 $0x380, v1;
	v8 =	vld.idx.msk [tilespmem:v8+s15+$0x0], $0xffff  }
0x1b2: {  	[tilespmem:s20+$0x15000] =	vst v16;
	v16 =	vld [tilespmem:s16+$0x0]  }
0x1b3: {  	s13 =	sor.u32 $0x180, s13;
	s30 =	sor.u32 $0x10, s29;
	v3 =	vld.idx.msk [tilespmem:v17+s15+$0x0], $0xffff;
	v17 =	vor.u32 $0x280, v9;
	[tilespmem:s12+$0x0] =	vst v18  }
0x1b4: {  	s24 =	sor.u32 $0x180, s19;
	[tilespmem:s13+$0x15000] =	vst v4;
	s19 =	sor.u32 s30, s22;
	v18 =	vor.u32 $0x280, v10;
	v4 =	vld.idx.msk [tilespmem:v14+s15+$0x0], $0xffff  }
0x1b5: {  	v23 =	vor.u32 $0x380, v2;
	[tilespmem:s24+$0x15000] =	vst v5;
	s22 =	sor.u32 s5, s11;
	v22 =	vor.u32 $0x380, v0;
	v14 =	vld [tilespmem:s19+$0x0]  }
0x1b6: {  	v24 =	vor.u32 $0x300, v9;
	s21 =	simm.s32 $0x80;
	v21 =	vor.u32 $0x300, v11;
	v5 =	vor.u32 $0x280, v7;
	s23 =	sor.u32 s4, s11;
	v20 =	vld.idx.msk [tilespmem:v20+s15+$0x0], $0xffff;
	[tilespmem:s22+$0x0] =	vst v13  }
0x1b7: {  	s24 =	sadd.s32 $0x20, s6;
	v26 =	vor.u32 $0x380, v11;
	v2 =	vor.u32 $0x380, v10;
	v1 =	vor.u32 $0x380, v9;
	s4 =	sor.u32 s1, s3;
	v13 =	vld [tilespmem:s21+$0x0];
	[tilespmem:s23+$0x0] =	vst v8  }
0x1b8: {  	s9 =	sor.u32 $0x100, s24;
	v25 =	vor.u32 $0x300, v7;
	v0 =	vor.u32 $0x380, v7;
	v8 =	vld.idx.msk [tilespmem:v17+s15+$0x0], $0xffff;
	[tilespmem:s4+$0x0] =	vst v3;
	v3 =	vshll.u32 v19, $0x3  }
0x1b9: {  	s17 =	sor.u32 $0x180, s10;
	[tilespmem:s9+$0x15000] =	vst v12;
	v9 =	vor.u32 $0x300, v10;
	v17 =	vand.u32 $0x7F, v19;
	v7 =	vld.idx.msk [tilespmem:v18+s15+$0x0], $0xffff;
	v3 =	vand.u32 $0xFFFFFC00, v3  }
0x1ba: {  	p1 =	por !p1, !p1;
	v27 =	vld.idx.msk [tilespmem:v22+s15+$0x0], $0xffff;
	[tilespmem:s17+$0x15000] =	vst v6;
	v10 =	vshll.u32 v14, $0x3;
	v3 =	vor.u32 v17, v3;
	v12 =	vand.u32 $0x7F, v14  }
0x1bb: {  	s13 =	simm.s32 $0x300;
	s9 =	simm.s32 $0x1;
	s19 =	sor.u32 $0x100, s2;
	[tilespmem:s12+$0x80] =	vst v4;
	v4 =	vld.idx.msk [tilespmem:v5+s15+$0x0], $0xffff;
	v5 =	vand.u32 $0xFFFFFC00, v10;
	v10 =	vshll.u32 v16, $0x3;
	v19 =	vor.u32 $0x200, v3  }
0x1bc: {  	s5 =	sor.u32 $0x180, s2;
	s10 =	sor.u32 $0x180, s24;
	s9 =	simm.s32 @!p1 $0x0;
	[tilespmem:s19+$0x15000] =	vst v15;
	v14 =	vand.u32 $0x7F, v16;
	v21 =	vld.idx.msk [tilespmem:v21+s15+$0x0], $0xffff;
	v6 =	vand.u32 $0xFFFFFC00, v10;
	v10 =	vshll.u32 v13, $0x3  }
0x1bd: {  	s24 =	simm.s32 $0xC;
	s3 =	sor.u32 $0x100, s6;
	s20 =	sshll.u32 s9, $0x6;
	v22 =	vor.u32 v12, v5;
	v5 =	vand.u32 $0x7F, v13;
	v13 =	vld.idx.msk [tilespmem:v23+s15+$0x0], $0xffff;
	v10 =	vand.u32 $0xFFFFFC00, v10;
	[tilespmem:s22+$0x80] =	vst v8  }
0x1be: {  	s1 =	sor.u32 $0x180, s6;
	s9 =	sor.u32 $0x180, s7;
	s17 =	sadd.s32 $0x200, s20;
	v15 =	vor.u32 $0x200, v22;
	v8 =	vor.u32 v14, v6;
	v23 =	vor.u32 v5, v10;
	v14 =	vld.idx.msk [tilespmem:v24+s15+$0x0], $0xffff;
	[tilespmem:s23+$0x80] =	vst v7  }
0x1bf: {  	s7 =	sor.u32 s8, s11;
	s6 =	sadd.s32 $0x30, s17;
	s2 =	sor.u32 $0x100, s17;
	[tilespmem:s9+$0x15000] =	vst v20;
	v10 =	vor.u32 $0x280, v22;
	v18 =	vor.u32 $0x200, v8;
	v5 =	vor.u32 $0x300, v22;
	v17 =	vld.idx.msk [tilespmem:v9+s15+$0x0], $0xffff  }
0x1c0: {  	s11 =	sor.u32 $0x180, s17;
	s21 =	sadd.s32 $0x10, s17;
	s23 =	sor.u32 $0x100, s6;
	v12 =	vor.u32 $0x280, v8;
	v7 =	vor.u32 $0x380, v22;
	v16 =	vor.u32 $0x200, v23;
	[tilespmem:s4+$0x80] =	vst v4;
	v19 =	vld.idx.msk [tilespmem:v19+s15+$0x0], $0xffff  }
0x1c1: {  	s20 =	sor.u32 $0x100, s21;
	s12 =	sor.u32 $0x180, s21;
	s22 =	sadd.s32 $0x20, s17;
	v6 =	vor.u32 $0x300, v8;
	v22 =	vor.u32 $0x280, v3;
	v11 =	vor.u32 $0x280, v23;
	[tilespmem:s23+$0x15000] =	vst v21;
	v20 =	vld.idx.msk [tilespmem:v25+s15+$0x0], $0xffff  }
0x1c2: {  	[tilespmem:s10+$0x15000] =	vst v27;
	s19 =	sor.u32 $0x100, s22;
	s8 =	sor.u32 $0x180, s22;
	v4 =	vor.u32 $0x300, v23;
	v9 =	vor.u32 $0x380, v8;
	s4 =	simm.s32 $0x100;
	v8 =	vor.u32 $0x380, v23;
	v21 =	vld.idx.msk [tilespmem:v26+s15+$0x0], $0xffff  }
.LBB2_9:
0x1c3: {  	s9 =	sand.u32 $0x40, s4;
	s10 =	sand.u32 $0xF80, s4;
	s16 =	sand.u32 $0x3E00, s13;
	v15 =	vld.idx.msk [tilespmem:v15+s15+$0x0], $0xffff;
	[tilespmem:s5+$0x15000] =	vst v13  }
0x1c4: {  	s24 =	sadd.s32 $0x4, s24;
	s5 =	sor.u32 $0x30, s9;
	s16 =	sadd.s32 $0x15000, s16;
	v13 =	vld.idx.msk [tilespmem:v18+s15+$0x0], $0xffff;
	[tilespmem:s20+$0x15000] =	vst v14  }
0x1c5: {  	p2 =	slt.u32 s24, $0xFC;
	s17 =	sor.u32 s5, s10;
	s20 =	sor.u32 s0, s16;
	v14 =	vld.idx.msk [tilespmem:v16+s15+$0x0], $0xffff;
	[tilespmem:s19+$0x15000] =	vst v17  }
0x1c6: {  	s21 =	sor.u32 $0x20, s9;
	s19 =	sor.u32 $0x10, s9;
	s0 =	sor.u32 $0x180, s6;
	v16 =	vld [tilespmem:s17+$0x0];
	[tilespmem:s20+$0x0] =	vst v19  }
0x1c7: {  	s22 =	sshra.s32 s13, $0x2;
	s6 =	sor.u32 s19, s10;
	s17 =	sor.u32 s21, s10;
	v17 =	vld.idx.msk [tilespmem:v22+s15+$0x0], $0xffff;
	[tilespmem:s0+$0x15000] =	vst v21  }
0x1c8: {  	s23 =	sor.u32 s30, s16;
	s10 =	sor.u32 s29, s16;
	v18 =	vld [tilespmem:s6+$0x0];
	s6 =	sor.u32 s31, s16;
	[tilespmem:s3+$0x15000] =	vst v20  }
0x1c9: {  	s29 =	smov.u32 s9;
	s30 =	smov.u32 s19;
	s0 =	smov.u32 s5;
	v19 =	vld [tilespmem:s17+$0x0];
	[tilespmem:s23+$0x0] =	vst v15;
	v15 =	vor.u32 $0x300, v3  }
0x1ca: {  	s5 =	smov.u32 s1;
	s31 =	smov.u32 s21;
	s3 =	smov.u32 s2;
	v20 =	vld [tilespmem:s22+$0x0];
	[tilespmem:s6+$0x0] =	vst v13  }
0x1cb: {  	s1 =	smov.u32 s11;
	v10 =	vld.idx.msk [tilespmem:v10+s15+$0x0], $0xffff;
	[tilespmem:s7+$0x0] =	vst v14  }
0x1cc: {  	v13 =	vshll.u32 v16, $0x3;
	v12 =	vld.idx.msk [tilespmem:v12+s15+$0x0], $0xffff  }
0x1cd: {  	p1 =	por !p1, !p1;
	s2 =	simm.s32 $0x1;
	v16 =	vand.u32 $0x7F, v16;
	v13 =	vand.u32 $0xFFFFFC00, v13;
	v14 =	vshll.u32 v18, $0x3;
	[tilespmem:s20+$0x80] =	vst v17;
	v11 =	vld.idx.msk [tilespmem:v11+s15+$0x0], $0xffff  }
0x1ce: {  	s2 =	simm.s32 @!p1 $0x0;
	v13 =	vor.u32 v16, v13;
	v14 =	vand.u32 $0xFFFFFC00, v14;
	v17 =	vshll.u32 v19, $0x3;
	v21 =	vld.idx.msk [tilespmem:v15+s15+$0x0], $0xffff  }
0x1cf: {  	s2 =	sshll.u32 s2, $0x6;
	v22 =	vor.u32 $0x200, v13;
	v16 =	vand.u32 $0xFFFFFC00, v17;
	v15 =	vshll.u32 v20, $0x3;
	v23 =	vld.idx.msk [tilespmem:v1+s15+$0x0], $0xffff;
	v1 =	vmovc v7  }
0x1d0: {  	v24 =	vor.u32 $0x380, v3;
	s9 =	sadd.s32 s2, s13;
	v3 =	vmovc v13;
	v7 =	vand.u32 $0x7F, v18;
	v17 =	vand.u32 $0x7F, v19;
	v25 =	vld.idx.msk [tilespmem:v2+s15+$0x0], $0xffff;
	v2 =	vmovc v9  }
0x1d1: {  	s11 =	sadd.s32 $0x10, s9;
	v7 =	vor.u32 v7, v14;
	v9 =	vand.u32 $0x7F, v20;
	v14 =	vand.u32 $0xFFFFFC00, v15;
	[tilespmem:s23+$0x80] =	vst v10;
	v13 =	vld.idx.msk [tilespmem:v0+s15+$0x0], $0xffff;
	v0 =	vmovc v8  }
.Ltmp5:
0x1d2: {  	s16 =	sadd.s32 $0x20, s9;
	v15 =	vor.u32 $0x200, v7;
	v8 =	vor.u32 v17, v16;
	v20 =	vor.u32 v9, v14;
	v14 =	vld.idx.msk [tilespmem:v5+s15+$0x0], $0xffff;
	[tilespmem:s6+$0x80] =	vst v12;
	s6 =	sadd.s32 $0x30, s9;
	(pc) =	sbr.rel @p2 .LBB2_9-.Ltmp5, $4  }
0x1d3: {  	s20 =	sor.u32 $0x100, s11;
	s19 =	sor.u32 $0x100, s16;
	v10 =	vor.u32 $0x280, v7;
	v18 =	vor.u32 $0x200, v8;
	v16 =	vor.u32 $0x200, v20;
	v17 =	vld.idx.msk [tilespmem:v6+s15+$0x0], $0xffff;
	s17 =	sor.u32 $0x100, s6;
	[tilespmem:s7+$0x80] =	vst v11  }
0x1d4: {  	s2 =	sor.u32 $0x100, s9;
	s21 =	sor.u32 $0x180, s11;
	s16 =	sor.u32 $0x180, s16;
	v5 =	vor.u32 $0x300, v7;
	v12 =	vor.u32 $0x280, v8;
	v11 =	vor.u32 $0x280, v20;
	v19 =	vld.idx.msk [tilespmem:v22+s15+$0x0], $0xffff;
	[tilespmem:s17+$0x15000] =	vst v21  }
0x1d5: {  	s11 =	sor.u32 $0x180, s9;
	v7 =	vor.u32 $0x380, v7;
	v26 =	vor.u32 $0x300, v20;
	v6 =	vor.u32 $0x300, v8;
	s7 =	smov.u32 s10;
	v21 =	vld.idx.msk [tilespmem:v24+s15+$0x0], $0xffff;
	[tilespmem:s12+$0x15000] =	vst v23;
	s12 =	smov.u32 s21  }
0x1d6: {  	s4 =	sadd.s32 $0x40, s4;
	s13 =	sadd.s32 $0x100, s13;
	v9 =	vor.u32 $0x380, v8;
	v8 =	vor.u32 $0x380, v20;
	v22 =	vor.u32 $0x280, v3;
	v20 =	vld.idx.msk [tilespmem:v4+s15+$0x0], $0xffff;
	[tilespmem:s8+$0x15000] =	vst v25;
	v4 =	vmovc v26;
	s8 =	smov.u32 s16  }
0x1d7: {  	s4 =	sshra.s32 s13, $0x2  }
0x1d8: {  	v23 =	vld [tilespmem:s4+$0x0];
	_ =	sdelay $0x4  }
0x1d9: {  	v24 =	vshll.u32 v23, $0x3  }
0x1da: {  	v23 =	vand.u32 $0x7F, v23;
	v24 =	vand.u32 $0xFFFFFC00, v24  }
0x1db: {  	v23 =	vor.u32 v23, v24  }
0x1dc: {  	v24 =	vor.u32 $0x200, v23  }
0x1dd: {  	s24 =	sand.u32 $0x3E00, s13;
	[tilespmem:s5+$0x15000] =	vst v13  }
0x1de: {  	v47 =	vld.idx.msk [tilespmem:v15+s15+$0x0], $0xffff;
	[tilespmem:s20+$0x15000] =	vst v14;
	s4 =	sadd.s32 $0x15000, s24  }
0x1df: {  	v48 =	vld.idx.msk [tilespmem:v18+s15+$0x0], $0xffff;
	[tilespmem:s19+$0x15000] =	vst v17;
	s0 =	sor.u32 s0, s4  }
0x1e0: {  	v49 =	vld.idx.msk [tilespmem:v16+s15+$0x0], $0xffff;
	s6 =	sor.u32 $0x180, s6;
	[tilespmem:s0+$0x0] =	vst v19  }
0x1e1: {  	[tilespmem:s6+$0x15000] =	vst v21;
	v52 =	vld.idx.msk [tilespmem:v24+s15+$0x0], $0xffff  }
0x1e2: {  	v1 =	vld.idx.msk [tilespmem:v1+s15+$0x0], $0xffff;
	s9 =	sor.u32 s30, s4;
	[tilespmem:s3+$0x15000] =	vst v20;
	v53 =	vor.u32 $0x280, v23  }
0x1e3: {  	s10 =	sor.u32 s31, s4;
	v50 =	vld.idx.msk [tilespmem:v22+s15+$0x0], $0xffff;
	[tilespmem:s9+$0x0] =	vst v47  }
0x1e4: {  	v51 =	vor.u32 $0x300, v3;
	[tilespmem:s10+$0x0] =	vst v48;
	v10 =	vld.idx.msk [tilespmem:v10+s15+$0x0], $0xffff  }
0x1e5: {  	s4 =	sor.u32 s29, s4;
	[tilespmem:s7+$0x0] =	vst v49;
	v12 =	vld.idx.msk [tilespmem:v12+s15+$0x0], $0xffff  }
0x1e6: {  	v11 =	vld.idx.msk [tilespmem:v11+s15+$0x0], $0xffff;
	[tilespmem:s4+$0x0] =	vst v52  }
0x1e7: {  	[tilespmem:s12+$0x15000] =	vst v1;
	v13 =	vld.idx.msk [tilespmem:v53+s15+$0x0], $0xffff  }
0x1e8: {  	p1 =	por !p1, !p1;
	v2 =	vld.idx.msk [tilespmem:v2+s15+$0x0], $0xffff;
	[tilespmem:s0+$0x80] =	vst v50;
	s0 =	simm.s32 $0x1;
	v55 =	vor.u32 $0x300, v23  }
0x1e9: {  	v54 =	vld.idx.msk [tilespmem:v51+s15+$0x0], $0xffff;
	s0 =	simm.s32 @!p1 $0x0;
	[tilespmem:s9+$0x80] =	vst v10  }
0x1ea: {  	v56 =	vor.u32 $0x380, v3;
	s0 =	sshll.u32 s0, $0x6;
	[tilespmem:s10+$0x80] =	vst v12;
	v5 =	vld.idx.msk [tilespmem:v5+s15+$0x0], $0xffff  }
0x1eb: {  	[tilespmem:s7+$0x80] =	vst v11;
	s0 =	sadd.s32 s0, s13;
	v6 =	vld.idx.msk [tilespmem:v6+s15+$0x0], $0xffff  }
0x1ec: {  	v4 =	vld.idx.msk [tilespmem:v4+s15+$0x0], $0xffff;
	s16 =	sadd.s32 $0x30, s0;
	[tilespmem:s4+$0x80] =	vst v13  }
0x1ed: {  	[tilespmem:s8+$0x15000] =	vst v2;
	s19 =	sadd.s32 $0x10, s0;
	s17 =	sor.u32 $0x100, s16;
	v57 =	vld.idx.msk [tilespmem:v55+s15+$0x0], $0xffff  }
0x1ee: {  	v0 =	vld.idx.msk [tilespmem:v0+s15+$0x0], $0xffff;
	v58 =	vor.u32 $0x380, v23;
	s20 =	sadd.s32 $0x20, s0;
	s21 =	sor.u32 $0x100, s19;
	[tilespmem:s17+$0x15000] =	vst v54  }
0x1ef: {  	s22 =	sor.u32 $0x100, s20;
	v59 =	vld.idx.msk [tilespmem:v56+s15+$0x0], $0xffff;
	[tilespmem:s21+$0x15000] =	vst v5  }
0x1f0: {  	[tilespmem:s22+$0x15000] =	vst v6;
	v60 =	vld.idx.msk [tilespmem:v7+s15+$0x0], $0xffff  }
0x1f1: {  	s23 =	sor.u32 $0x100, s0;
	[tilespmem:s2+$0x15000] =	vst v4;
	v61 =	vld.idx.msk [tilespmem:v9+s15+$0x0], $0xffff  }
0x1f2: {  	v62 =	vld.idx.msk [tilespmem:v8+s15+$0x0], $0xffff;
	[tilespmem:s23+$0x15000] =	vst v57  }
0x1f3: {  	[tilespmem:s1+$0x15000] =	vst v0;
	s24 =	sor.u32 $0x180, s16;
	v63 =	vld.idx.msk [tilespmem:v58+s15+$0x0], $0xffff  }
0x1f4: {  	s29 =	sor.u32 $0x180, s19;
	[tilespmem:s24+$0x15000] =	vst v59  }
0x1f5: {  	s30 =	sor.u32 $0x180, s20;
	[tilespmem:s29+$0x15000] =	vst v60  }
0x1f6: {  	[tilespmem:s30+$0x15000] =	vst v61  }
.Ltmp6:
0x1f7: {  	s0 =	sor.u32 $0x180, s0;
	[tilespmem:s11+$0x15000] =	vst v62;
	(pc) =	sbr.rel @p0 .LBB2_12-.Ltmp6, $4  }
0x1f8: {  	[tilespmem:s0+$0x15000] =	vst v63  }
0x1f9: {  	s0 =	rddreg [dreg:$0x7]  }
0x1fa: {  	s31 =	simm.s32 $0x15000;
	s9 =	simm.s32 $0x200;
	s0 =	sadd.s32 s28, s0  }
0x1fb: {  	[hbm4b:s0+s9] =	stream.strided.scatter [tilespmem:s31], [sflag:$0x4], $0x4000, s18, s9, $0x38;
	[tilespmem:$0x19000] =	vst v63  }
.Ltmp7:
0x1fc: {  	s0 =	rddreg [dreg:$0x9];
	(pc) =	sbr.rel .LBB2_2-.Ltmp7, $4  }
0x1fd: {  	s0 =	sadd.s32 s26, s0  }
0x1fe: {  	s1 =	rddreg [dreg:$0x0];
	s0 =	sshll.u32 s0, $0xC  }
0x1ff: {  	s31 =	simm.s32 $0x0;
	s25 =	sadd.s32 $0x1, s25;
	s0 =	sadd.s32 s1, s0  }
0x200: {  	[tilespmem:s15], [sflag:$0x2] =	stream.linear.gather [hbm4b:s0+s31], $0x8000, $0x38;
	[tilespmem:$0x19000] =	vst v63  }
.LBB2_13:
0x201: {  	_ =	sfence.sel $0x180000  }
0x202: {  	[bflag:$0x0] =	sbarrier.arrive $0xFFFF  }
0x203: {  	_ =	strace $0x90000047  }
0x204: {  	s0 =	stileid.u32;
	[bflag:$0x2] =	sbarrier.arrive $0xFFFF  }
0x205: {  	p0 =	sne.s32 s0, $0x0;
	s0 =	rddreg [dreg:$0x3]  }
0x206: {  	s0 =	sadd.s32 @!p0 $0x100000, s0  }
0x207: {  	[sflag:s0] =	ssyncadd.tile.s32 @!p0 $0x1;
	_ =	shalt  }
.Lfunc_end2:
_tile_overlayer_lowered:
.L_overlay_start_2:
0x208: {  	(tag) =	ssettag $0x2  }
0x209: {  	s0 =	rddreg [dreg:$0x0];
	s2 =	stileid.u32  }
0x20a: {  	s1 =	rddreg [dreg:$0x1];
	p0 =	sne.s32 s2, $0x0  }
0x20b: {  	s3 =	rddreg [dreg:$0x2];
	[bflag:$0x3] =	sbarrier.arrive $0xFFFF;
	s2 =	simm.s32 @!p0 $0x1C05  }
0x20c: {  	[timem:s3], [sflag:s2] =	dma.local @!p0 [hbm:s0], s1  }
0x20d: {  	s0 =	simm.s32 @!p0 $0x5  }
0x20e: {  	_ =	swait.ge @!p0 [sflag:s0], s1  }
0x20f: {  	s1 =	ssub.s32 @!p0 $0x0, s1;
	[sflag:s0] =	ssyncset.done @!p0 $0x0  }
0x210: {  	[sflag:s0] =	ssyncadd.s32 @!p0 s1  }
0x211: {  	[bflag:$0x3] =	sbarrier.arrive $0xFFFF  }
0x212: {  	_ =	shalt  }

</sc_bundles>
